<compile_context>
chip_gen: v7x
topology: tpu7x:2x2x1
jax: 0.10.2.dev20260603
libtpu: 0.0.44.dev20260713+nightly
codegen_flags: <defaults>
</compile_context>

<pallas_src>
import functools

import jax
import jax.numpy as jnp
from jax import lax
from jax.experimental import pallas as pl
from jax.experimental.pallas import tpu as pltpu
from jax.experimental.pallas import tpu_sc as plsc

_BATCH = 16384
_NCLS = 392
_NC = 2
_NS = 16
_NW = _NC * _NS
_L = 16

_SC_BATCH = 8192
_ROWS_PER_W = _SC_BATCH // _NW
_CHUNK = 128
_NCHUNK = _ROWS_PER_W // _CHUNK
_GPC = _CHUNK // _L

_CB = 256
_A = _NCLS // 8
_TC_BLOCKS = (_BATCH - _SC_BATCH) // _CB
_TC_OFF = _SC_BATCH // _CB

_mesh = plsc.VectorSubcoreMesh(core_axis_name="c", subcore_axis_name="s")


@functools.partial(
    pl.kernel,
    mesh=_mesh,
    out_type=jax.ShapeDtypeStruct((_NW, _L), jnp.float32),
    scratch_types=[
        pltpu.VMEM((_NCLS, _CHUNK), jnp.float32),
        pltpu.VMEM((_NCLS, _CHUNK), jnp.float32),
        pltpu.VMEM((_ROWS_PER_W,), jnp.int32),
        pltpu.VMEM((_L,), jnp.float32),
        pltpu.SemaphoreType.DMA,
        pltpu.SemaphoreType.DMA,
    ],
    compiler_params=pltpu.CompilerParams(
        use_tc_tiling_on_sc=True, needs_layout_passes=False),
)
def _iou_partials_sc(probt_hbm, label_hbm, out_hbm,
                     buf_a, buf_b, lab_v, acc_v, sem_a, sem_b):
    wid = lax.axis_index("s") * _NC + lax.axis_index("c")
    col0 = wid * _ROWS_PER_W
    pltpu.sync_copy(label_hbm.at[pl.ds(col0, _ROWS_PER_W)], lab_v)

    iota = lax.iota(jnp.int32, _L)
    neg_inf = jnp.full((_L,), -jnp.inf, jnp.float32)

    def chunk_copy(c, buf, sem):
        return pltpu.make_async_copy(
            probt_hbm.at[:, pl.ds(col0 + c * _CHUNK, _CHUNK)], buf, sem)

    def process(buf, chunk, acc):
        def group_body(g, acc):
            gcol = g * _L

            def j_body(j, ms):
                m0, m1, m2, m3, m4, m5 = ms
                x = buf[j, pl.ds(gcol, _L)]
                n0 = jnp.maximum(m0, x)
                c = jnp.minimum(m0, x)
                n1 = jnp.maximum(m1, c)
                c = jnp.minimum(m1, c)
                n2 = jnp.maximum(m2, c)
                c = jnp.minimum(m2, c)
                n3 = jnp.maximum(m3, c)
                c = jnp.minimum(m3, c)
                n4 = jnp.maximum(m4, c)
                c = jnp.minimum(m4, c)
                n5 = jnp.maximum(m5, c)
                return (n0, n1, n2, n3, n4, n5)

            m0, m1, m2, m3, m4, m5 = lax.fori_loop(
                0, _NCLS, j_body, (neg_inf,) * 6, unroll=8)

            t = m5
            cnt = ((m0 > t).astype(jnp.float32)
                   + (m1 > t).astype(jnp.float32)
                   + (m2 > t).astype(jnp.float32)
                   + (m3 > t).astype(jnp.float32)
                   + (m4 > t).astype(jnp.float32))
            lab16 = plsc.load_gather(
                lab_v, [(chunk * _GPC + g) * _L + iota])
            labval = plsc.load_gather(buf, [lab16, gcol + iota])
            inter = (labval > t).astype(jnp.float32)
            union = cnt + 1.0 - inter
            return acc + inter / union

        return lax.fori_loop(0, _GPC, group_body, acc)

    chunk_copy(0, buf_a, sem_a).start()

    def pair_body(i, acc):
        ca = 2 * i
        cb = 2 * i + 1
        chunk_copy(ca, buf_a, sem_a).wait()
        chunk_copy(cb, buf_b, sem_b).start()
        acc = process(buf_a, ca, acc)
        chunk_copy(cb, buf_b, sem_b).wait()
        chunk_copy(jnp.minimum(ca + 2, _NCHUNK - 1), buf_a, sem_a).start()
        acc = process(buf_b, cb, acc)
        return acc

    acc = lax.fori_loop(0, _NCHUNK // 2, pair_body,
                        jnp.zeros((_L,), jnp.float32))
    chunk_copy(_NCHUNK - 1, buf_a, sem_a).wait()
    acc_v[...] = acc
    pltpu.sync_copy(acc_v, out_hbm.at[wid])


def _iou_tc_body(lab_ref, x_ref, out_ref):
    i = pl.program_id(0)
    x = x_ref[...].reshape(_A, 8, _CB)
    lab = lab_ref[0, 0, :]
    lab2 = jnp.broadcast_to(lab[None, :], (8, _CB))
    subi = lax.broadcasted_iota(jnp.int32, (8, _CB), 0)
    labrel = lab2 - subi

    neg = jnp.full((8, _CB), -jnp.inf, jnp.float32)
    m = [neg] * 6
    labacc = neg
    for a in range(_A):
        xa = x[a]
        c = xa
        n0 = jnp.maximum(m[0], c)
        c = jnp.minimum(m[0], c)
        n1 = jnp.maximum(m[1], c)
        c = jnp.minimum(m[1], c)
        n2 = jnp.maximum(m[2], c)
        c = jnp.minimum(m[2], c)
        n3 = jnp.maximum(m[3], c)
        c = jnp.minimum(m[3], c)
        n4 = jnp.maximum(m[4], c)
        c = jnp.minimum(m[4], c)
        n5 = jnp.maximum(m[5], c)
        m = [n0, n1, n2, n3, n4, n5]
        labacc = jnp.where(labrel == 8 * a, xa, labacc)

    cand = list(m)
    r = jnp.zeros((1, _CB), jnp.float32)
    t = jnp.full((1, _CB), -jnp.inf, jnp.float32)
    done = jnp.zeros((1, _CB), jnp.bool_)
    for _ in range(6):
        mm = m[0]
        for k in range(1, 6):
            mm = jnp.maximum(mm, m[k])
        mx = jnp.max(mm, axis=0, keepdims=True)
        eqs = (m[0] == mx).astype(jnp.float32)
        for k in range(1, 6):
            eqs = eqs + (m[k] == mx).astype(jnp.float32)
        new_r = r + jnp.sum(eqs, axis=0, keepdims=True)
        hit = jnp.logical_and(jnp.logical_not(done), new_r >= 6.0)
        t = jnp.where(hit, mx, t)
        done = jnp.logical_or(done, new_r >= 6.0)
        for k in range(6):
            m[k] = jnp.where(m[k] == mx, -jnp.inf, m[k])
        r = new_r

    gts = (cand[0] > t).astype(jnp.float32)
    for k in range(1, 6):
        gts = gts + (cand[k] > t).astype(jnp.float32)
    c_pred = jnp.sum(gts, axis=0, keepdims=True)
    labval = jnp.max(labacc, axis=0, keepdims=True)
    inter = (labval > t).astype(jnp.float32)
    union = c_pred + 1.0 - inter
    iou = inter / union

    @pl.when(i == 0)
    def _():
        out_ref[...] = jnp.zeros((1, _CB), jnp.float32)
    out_ref[...] += iou


_iou_tc = pl.pallas_call(
    _iou_tc_body,
    grid=(_TC_BLOCKS,),
    in_specs=[
        pl.BlockSpec((1, 1, _CB), lambda i: (i + _TC_OFF, 0, 0)),
        pl.BlockSpec((_NCLS, _CB), lambda i: (0, i + _TC_OFF)),
    ],
    out_specs=pl.BlockSpec((1, _CB), lambda i: (0, 0)),
    out_shape=jax.ShapeDtypeStruct((1, _CB), jnp.float32),
)


def kernel(prob, label):
    probt = prob.T
    sc_partials = _iou_partials_sc(probt, label)
    tc_partial = _iou_tc(label.reshape(_BATCH // _CB, 1, _CB), probt)
    total = jnp.sum(sc_partials) + jnp.sum(tc_partial)
    return total / jnp.float32(_BATCH)

# --- scband reference (transcript-rebuilt; emitter-appended) ---
"""Pipeline reference for scband-acc-s-26663156974045 (READ-ONLY COPY).

The authoritative reference and input builder live on the scoring server;
editing this copy changes nothing except your own understanding.
"""

import jax, jax.numpy as jnp
import numpy as np

K = 5
NUM_CLASSES = 392
BATCH = 16384


def setup_inputs(seed: int = 0) -> dict:
    key = jax.random.key(seed)
    k1, k2 = jax.random.split(key)
    prob = jax.random.normal(k1, (BATCH, NUM_CLASSES), dtype=jnp.float32)
    label = jax.random.randint(k2, (BATCH,), 0, NUM_CLASSES, dtype=jnp.int32)
    return {"prob": prob, "label": label}


def reference(prob, label):
    # label is 1-D -> one_hot to 392 classes (matches F.one_hot(label, num_classes=392))
    label_oh = jax.nn.one_hot(label, NUM_CLASSES, dtype=jnp.int32)
    # descending sort along class dim
    sorted_desc = -jnp.sort(-prob, axis=1)
    # threshold at the (k+1)-th largest value; strictly-greater entries form the top-k mask
    thresh = sorted_desc[:, K]
    pred = (prob > thresh[:, None]).astype(jnp.int32)
    # name='accg' has no '_l'/'_m' suffix, so no label/code remapping branch
    inter = jnp.sum(jnp.logical_and(label_oh, pred).astype(jnp.float32), axis=1)
    union = jnp.sum(jnp.logical_or(label_oh, pred).astype(jnp.float32), axis=1)
    # sum of per-row IoU divided by number of rows == mean IoU
    return jnp.sum(inter / union) / union.shape[0]

if __name__ == "__main__":
    import jax
    _d = setup_inputs()
    print(jax.jit(kernel)(*tuple(_d.values())))

</pallas_src>

<mosaic_0001>
#map = affine_map<(d0, d1) -> (0, 0)>
#map1 = affine_map<(d0, d1) -> (0)>
module attributes {stable_mosaic.version = 14 : i64} {
  func.func @_iou_partials_sc(%arg0: i32, %arg1: i32, %arg2: memref<392x16384xf32, #tpu.memory_space<hbm>>, %arg3: memref<16384xi32, #tpu.memory_space<hbm>>, %arg4: memref<32x16xf32, #tpu.memory_space<hbm>>, %arg5: memref<392x128xf32, #tpu.memory_space<vmem>>, %arg6: memref<392x128xf32, #tpu.memory_space<vmem>>, %arg7: memref<256xi32, #tpu.memory_space<vmem>>, %arg8: memref<16xf32, #tpu.memory_space<vmem>>, %arg9: memref<!tpu.dma_semaphore, #tpu.memory_space<semaphore_mem>>, %arg10: memref<!tpu.dma_semaphore, #tpu.memory_space<semaphore_mem>>) attributes {dimension_semantics = [#tpu.dimension_semantics<core_parallel>, #tpu.dimension_semantics<subcore_parallel>], iteration_bounds = array<i64: 2, 16>, scalar_prefetch = 0 : i64, scratch_operands = 6 : i64, tpu.core_type = #tpu.core_type<sc_vector_subcore>, window_params = [{transform_indices = #map}, {transform_indices = #map1}, {transform_indices = #map}]} {
    %mul3A = arith.constant 2 : i32
    %mul3A_0 = arith.muli %arg1, %mul3A : i32
    %add3A = arith.addi %mul3A_0, %arg0 : i32
    %mul3A_1 = arith.constant 256 : i32
    %mul3A_2 = arith.muli %add3A, %mul3A_1 : i32
    "tpu.region"() ({
      %run_scoped3A = tpu.sem_alloc : memref<!tpu.dma_semaphore, #tpu.memory_space<semaphore_mem>>
      %dma_start3A_67 = tpu.memref_slice %arg3[%mul3A_2] : memref<16384xi32, #tpu.memory_space<hbm>> -> memref<256xi32, #tpu.memory_space<hbm>>
      %dma_start3A_68 = tpu.memref_slice %arg3[%mul3A_2] : memref<16384xi32, #tpu.memory_space<hbm>> -> memref<256xi32, #tpu.memory_space<hbm>>
      tpu.enqueue_dma source(%dma_start3A_68 : memref<256xi32, #tpu.memory_space<hbm>>) target(%arg7 : memref<256xi32, #tpu.memory_space<vmem>>) target_semaphore(%run_scoped3A : memref<!tpu.dma_semaphore, #tpu.memory_space<semaphore_mem>>)
      %dma_wait3A_69 = tpu.memref_slice %arg3[%mul3A_2] : memref<16384xi32, #tpu.memory_space<hbm>> -> memref<256xi32, #tpu.memory_space<hbm>>
      %dma_wait3A_70 = tpu.memref_slice %arg3[%mul3A_2] : memref<16384xi32, #tpu.memory_space<hbm>> -> memref<256xi32, #tpu.memory_space<hbm>>
      tpu.wait_dma2 semaphore(%run_scoped3A : memref<!tpu.dma_semaphore, #tpu.memory_space<semaphore_mem>>) src(%dma_wait3A_70 : memref<256xi32, #tpu.memory_space<hbm>>) dst(%arg7 : memref<256xi32, #tpu.memory_space<vmem>>)
      tpu.yield
    }) : () -> ()
    %iota3A = tpu.iota {dimensions = array<i32: 0>} : vector<16xi32>
    %broadcast_in_dim3A = arith.constant 0xFF800000 : f32
    %broadcast_in_dim3A_3 = vector.broadcast %broadcast_in_dim3A : f32 to vector<16xf32>
    %add3A_4 = arith.constant 0 : i32
    %add3A_5 = arith.addi %mul3A_2, %add3A_4 : i32
    %dma_start3A = arith.constant 0 : i32
    %dma_start3A_6 = tpu.memref_slice %arg2[%dma_start3A, %add3A_5] : memref<392x16384xf32, #tpu.memory_space<hbm>> -> memref<392x128xf32, #tpu.memory_space<hbm>>
    %dma_start3A_7 = arith.constant 0 : i32
    %dma_start3A_8 = tpu.memref_slice %arg2[%dma_start3A_7, %add3A_5] : memref<392x16384xf32, #tpu.memory_space<hbm>> -> memref<392x128xf32, #tpu.memory_space<hbm>>
    tpu.enqueue_dma source(%dma_start3A_8 : memref<392x128xf32, #tpu.memory_space<hbm>>) target(%arg5 : memref<392x128xf32, #tpu.memory_space<vmem>>) target_semaphore(%arg9 : memref<!tpu.dma_semaphore, #tpu.memory_space<semaphore_mem>>)
    %broadcast_in_dim3A_9 = arith.constant 0.000000e+00 : f32
    %broadcast_in_dim3A_10 = vector.broadcast %broadcast_in_dim3A_9 : f32 to vector<16xf32>
    %scan3A = arith.constant 0 : i32
    %mul3A_11 = arith.constant 2 : i32
    %mul3A_12 = arith.muli %mul3A_11, %scan3A : i32
    %mul3A_13 = arith.constant 2 : i32
    %mul3A_14 = arith.muli %mul3A_13, %scan3A : i32
    %add3A_15 = arith.constant 1 : i32
    %add3A_16 = arith.addi %mul3A_14, %add3A_15 : i32
    %mul3A_17 = arith.constant 128 : i32
    %mul3A_18 = arith.muli %mul3A_12, %mul3A_17 : i32
    %add3A_19 = arith.addi %mul3A_2, %mul3A_18 : i32
    %dma_wait3A = arith.constant 0 : i32
    %dma_wait3A_20 = tpu.memref_slice %arg2[%dma_wait3A, %add3A_19] : memref<392x16384xf32, #tpu.memory_space<hbm>> -> memref<392x128xf32, #tpu.memory_space<hbm>>
    %dma_wait3A_21 = arith.constant 0 : i32
    %dma_wait3A_22 = tpu.memref_slice %arg2[%dma_wait3A_21, %add3A_19] : memref<392x16384xf32, #tpu.memory_space<hbm>> -> memref<392x128xf32, #tpu.memory_space<hbm>>
    tpu.wait_dma2 semaphore(%arg9 : memref<!tpu.dma_semaphore, #tpu.memory_space<semaphore_mem>>) src(%dma_wait3A_22 : memref<392x128xf32, #tpu.memory_space<hbm>>) dst(%arg5 : memref<392x128xf32, #tpu.memory_space<vmem>>)
    %mul3A_23 = arith.constant 128 : i32
    %mul3A_24 = arith.muli %add3A_16, %mul3A_23 : i32
    %add3A_25 = arith.addi %mul3A_2, %mul3A_24 : i32
    %dma_start3A_26 = arith.constant 0 : i32
    %dma_start3A_27 = tpu.memref_slice %arg2[%dma_start3A_26, %add3A_25] : memref<392x16384xf32, #tpu.memory_space<hbm>> -> memref<392x128xf32, #tpu.memory_space<hbm>>
    %dma_start3A_28 = arith.constant 0 : i32
    %dma_start3A_29 = tpu.memref_slice %arg2[%dma_start3A_28, %add3A_25] : memref<392x16384xf32, #tpu.memory_space<hbm>> -> memref<392x128xf32, #tpu.memory_space<hbm>>
    tpu.enqueue_dma source(%dma_start3A_29 : memref<392x128xf32, #tpu.memory_space<hbm>>) target(%arg6 : memref<392x128xf32, #tpu.memory_space<vmem>>) target_semaphore(%arg10 : memref<!tpu.dma_semaphore, #tpu.memory_space<semaphore_mem>>)
    %scan3A_30 = arith.constant 0 : i32
    %scan3A_31 = arith.constant 8 : i32
    %scan3A_32 = arith.addi %scan3A_30, %scan3A_31 : i32
    %scan3A_33 = arith.constant 1 : i32
    %scan3A_34 = scf.for %scan3A_67 = %scan3A_30 to %scan3A_32 step %scan3A_33 iter_args(%scan3A_68 = %broadcast_in_dim3A_10) -> (vector<16xf32>)  : i32 {
      %mul3A_69 = arith.constant 16 : i32
      %mul3A_70 = arith.muli %scan3A_67, %mul3A_69 : i32
      %scan3A_71 = arith.constant 0 : i32
      %scan3A_72 = arith.constant 392 : i32
      %scan3A_73 = arith.addi %scan3A_71, %scan3A_72 : i32
      %scan3A_74 = arith.constant 8 : i32
      %scan3A_75:6 = scf.for %scan3A_111 = %scan3A_71 to %scan3A_73 step %scan3A_74 iter_args(%scan3A_112 = %broadcast_in_dim3A_3, %scan3A_113 = %broadcast_in_dim3A_3, %scan3A_114 = %broadcast_in_dim3A_3, %scan3A_115 = %broadcast_in_dim3A_3, %scan3A_116 = %broadcast_in_dim3A_3, %scan3A_117 = %broadcast_in_dim3A_3) -> (vector<16xf32>, vector<16xf32>, vector<16xf32>, vector<16xf32>, vector<16xf32>, vector<16xf32>)  : i32 {
        %get3A = arith.index_cast %scan3A_111 : i32 to index
        %get3A_118 = arith.index_cast %mul3A_70 : i32 to index
        %get3A_119 = tpu.vector_load %arg5[%get3A, %get3A_118] {strides = array<i32>} : memref<392x128xf32, #tpu.memory_space<vmem>>, vector<16xf32>,
        %max3A = arith.maximumf %scan3A_112, %get3A_119 : vector<16xf32>
        %min3A_120 = arith.minimumf %scan3A_112, %get3A_119 : vector<16xf32>
        %max3A_121 = arith.maximumf %scan3A_113, %min3A_120 : vector<16xf32>
        %min3A_122 = arith.minimumf %scan3A_113, %min3A_120 : vector<16xf32>
        %max3A_123 = arith.maximumf %scan3A_114, %min3A_122 : vector<16xf32>
        %min3A_124 = arith.minimumf %scan3A_114, %min3A_122 : vector<16xf32>
        %max3A_125 = arith.maximumf %scan3A_115, %min3A_124 : vector<16xf32>
        %min3A_126 = arith.minimumf %scan3A_115, %min3A_124 : vector<16xf32>
        %max3A_127 = arith.maximumf %scan3A_116, %min3A_126 : vector<16xf32>
        %min3A_128 = arith.minimumf %scan3A_116, %min3A_126 : vector<16xf32>
        %max3A_129 = arith.maximumf %scan3A_117, %min3A_128 : vector<16xf32>
        %scan3A_130 = arith.constant 1 : i32
        %scan3A_131 = arith.addi %scan3A_111, %scan3A_130 : i32
        %get3A_132 = arith.index_cast %scan3A_131 : i32 to index
        %get3A_133 = arith.index_cast %mul3A_70 : i32 to index
        %get3A_134 = tpu.vector_load %arg5[%get3A_132, %get3A_133] {strides = array<i32>} : memref<392x128xf32, #tpu.memory_space<vmem>>, vector<16xf32>,
        %max3A_135 = arith.maximumf %max3A, %get3A_134 : vector<16xf32>
        %min3A_136 = arith.minimumf %max3A, %get3A_134 : vector<16xf32>
        %max3A_137 = arith.maximumf %max3A_121, %min3A_136 : vector<16xf32>
        %min3A_138 = arith.minimumf %max3A_121, %min3A_136 : vector<16xf32>
        %max3A_139 = arith.maximumf %max3A_123, %min3A_138 : vector<16xf32>
        %min3A_140 = arith.minimumf %max3A_123, %min3A_138 : vector<16xf32>
        %max3A_141 = arith.maximumf %max3A_125, %min3A_140 : vector<16xf32>
        %min3A_142 = arith.minimumf %max3A_125, %min3A_140 : vector<16xf32>
        %max3A_143 = arith.maximumf %max3A_127, %min3A_142 : vector<16xf32>
        %min3A_144 = arith.minimumf %max3A_127, %min3A_142 : vector<16xf32>
        %max3A_145 = arith.maximumf %max3A_129, %min3A_144 : vector<16xf32>
        %scan3A_146 = arith.constant 2 : i32
        %scan3A_147 = arith.addi %scan3A_111, %scan3A_146 : i32
        %get3A_148 = arith.index_cast %scan3A_147 : i32 to index
        %get3A_149 = arith.index_cast %mul3A_70 : i32 to index
        %get3A_150 = tpu.vector_load %arg5[%get3A_148, %get3A_149] {strides = array<i32>} : memref<392x128xf32, #tpu.memory_space<vmem>>, vector<16xf32>,
        %max3A_151 = arith.maximumf %max3A_135, %get3A_150 : vector<16xf32>
        %min3A_152 = arith.minimumf %max3A_135, %get3A_150 : vector<16xf32>
        %max3A_153 = arith.maximumf %max3A_137, %min3A_152 : vector<16xf32>
        %min3A_154 = arith.minimumf %max3A_137, %min3A_152 : vector<16xf32>
        %max3A_155 = arith.maximumf %max3A_139, %min3A_154 : vector<16xf32>
        %min3A_156 = arith.minimumf %max3A_139, %min3A_154 : vector<16xf32>
        %max3A_157 = arith.maximumf %max3A_141, %min3A_156 : vector<16xf32>
        %min3A_158 = arith.minimumf %max3A_141, %min3A_156 : vector<16xf32>
        %max3A_159 = arith.maximumf %max3A_143, %min3A_158 : vector<16xf32>
        %min3A_160 = arith.minimumf %max3A_143, %min3A_158 : vector<16xf32>
        %max3A_161 = arith.maximumf %max3A_145, %min3A_160 : vector<16xf32>
        %scan3A_162 = arith.constant 3 : i32
        %scan3A_163 = arith.addi %scan3A_111, %scan3A_162 : i32
        %get3A_164 = arith.index_cast %scan3A_163 : i32 to index
        %get3A_165 = arith.index_cast %mul3A_70 : i32 to index
        %get3A_166 = tpu.vector_load %arg5[%get3A_164, %get3A_165] {strides = array<i32>} : memref<392x128xf32, #tpu.memory_space<vmem>>, vector<16xf32>,
        %max3A_167 = arith.maximumf %max3A_151, %get3A_166 : vector<16xf32>
        %min3A_168 = arith.minimumf %max3A_151, %get3A_166 : vector<16xf32>
        %max3A_169 = arith.maximumf %max3A_153, %min3A_168 : vector<16xf32>
        %min3A_170 = arith.minimumf %max3A_153, %min3A_168 : vector<16xf32>
        %max3A_171 = arith.maximumf %max3A_155, %min3A_170 : vector<16xf32>
        %min3A_172 = arith.minimumf %max3A_155, %min3A_170 : vector<16xf32>
        %max3A_173 = arith.maximumf %max3A_157, %min3A_172 : vector<16xf32>
        %min3A_174 = arith.minimumf %max3A_157, %min3A_172 : vector<16xf32>
        %max3A_175 = arith.maximumf %max3A_159, %min3A_174 : vector<16xf32>
        %min3A_176 = arith.minimumf %max3A_159, %min3A_174 : vector<16xf32>
        %max3A_177 = arith.maximumf %max3A_161, %min3A_176 : vector<16xf32>
        %scan3A_178 = arith.constant 4 : i32
        %scan3A_179 = arith.addi %scan3A_111, %scan3A_178 : i32
        %get3A_180 = arith.index_cast %scan3A_179 : i32 to index
        %get3A_181 = arith.index_cast %mul3A_70 : i32 to index
        %get3A_182 = tpu.vector_load %arg5[%get3A_180, %get3A_181] {strides = array<i32>} : memref<392x128xf32, #tpu.memory_space<vmem>>, vector<16xf32>,
        %max3A_183 = arith.maximumf %max3A_167, %get3A_182 : vector<16xf32>
        %min3A_184 = arith.minimumf %max3A_167, %get3A_182 : vector<16xf32>
        %max3A_185 = arith.maximumf %max3A_169, %min3A_184 : vector<16xf32>
        %min3A_186 = arith.minimumf %max3A_169, %min3A_184 : vector<16xf32>
        %max3A_187 = arith.maximumf %max3A_171, %min3A_186 : vector<16xf32>
        %min3A_188 = arith.minimumf %max3A_171, %min3A_186 : vector<16xf32>
        %max3A_189 = arith.maximumf %max3A_173, %min3A_188 : vector<16xf32>
        %min3A_190 = arith.minimumf %max3A_173, %min3A_188 : vector<16xf32>
        %max3A_191 = arith.maximumf %max3A_175, %min3A_190 : vector<16xf32>
        %min3A_192 = arith.minimumf %max3A_175, %min3A_190 : vector<16xf32>
        %max3A_193 = arith.maximumf %max3A_177, %min3A_192 : vector<16xf32>
        %scan3A_194 = arith.constant 5 : i32
        %scan3A_195 = arith.addi %scan3A_111, %scan3A_194 : i32
        %get3A_196 = arith.index_cast %scan3A_195 : i32 to index
        %get3A_197 = arith.index_cast %mul3A_70 : i32 to index
        %get3A_198 = tpu.vector_load %arg5[%get3A_196, %get3A_197] {strides = array<i32>} : memref<392x128xf32, #tpu.memory_space<vmem>>, vector<16xf32>,
        %max3A_199 = arith.maximumf %max3A_183, %get3A_198 : vector<16xf32>
        %min3A_200 = arith.minimumf %max3A_183, %get3A_198 : vector<16xf32>
        %max3A_201 = arith.maximumf %max3A_185, %min3A_200 : vector<16xf32>
        %min3A_202 = arith.minimumf %max3A_185, %min3A_200 : vector<16xf32>
        %max3A_203 = arith.maximumf %max3A_187, %min3A_202 : vector<16xf32>
        %min3A_204 = arith.minimumf %max3A_187, %min3A_202 : vector<16xf32>
        %max3A_205 = arith.maximumf %max3A_189, %min3A_204 : vector<16xf32>
        %min3A_206 = arith.minimumf %max3A_189, %min3A_204 : vector<16xf32>
        %max3A_207 = arith.maximumf %max3A_191, %min3A_206 : vector<16xf32>
        %min3A_208 = arith.minimumf %max3A_191, %min3A_206 : vector<16xf32>
        %max3A_209 = arith.maximumf %max3A_193, %min3A_208 : vector<16xf32>
        %scan3A_210 = arith.constant 6 : i32
        %scan3A_211 = arith.addi %scan3A_111, %scan3A_210 : i32
        %get3A_212 = arith.index_cast %scan3A_211 : i32 to index
        %get3A_213 = arith.index_cast %mul3A_70 : i32 to index
        %get3A_214 = tpu.vector_load %arg5[%get3A_212, %get3A_213] {strides = array<i32>} : memref<392x128xf32, #tpu.memory_space<vmem>>, vector<16xf32>,
        %max3A_215 = arith.maximumf %max3A_199, %get3A_214 : vector<16xf32>
        %min3A_216 = arith.minimumf %max3A_199, %get3A_214 : vector<16xf32>
        %max3A_217 = arith.maximumf %max3A_201, %min3A_216 : vector<16xf32>
        %min3A_218 = arith.minimumf %max3A_201, %min3A_216 : vector<16xf32>
        %max3A_219 = arith.maximumf %max3A_203, %min3A_218 : vector<16xf32>
        %min3A_220 = arith.minimumf %max3A_203, %min3A_218 : vector<16xf32>
        %max3A_221 = arith.maximumf %max3A_205, %min3A_220 : vector<16xf32>
        %min3A_222 = arith.minimumf %max3A_205, %min3A_220 : vector<16xf32>
        %max3A_223 = arith.maximumf %max3A_207, %min3A_222 : vector<16xf32>
        %min3A_224 = arith.minimumf %max3A_207, %min3A_222 : vector<16xf32>
        %max3A_225 = arith.maximumf %max3A_209, %min3A_224 : vector<16xf32>
        %scan3A_226 = arith.constant 7 : i32
        %scan3A_227 = arith.addi %scan3A_111, %scan3A_226 : i32
        %get3A_228 = arith.index_cast %scan3A_227 : i32 to index
        %get3A_229 = arith.index_cast %mul3A_70 : i32 to index
        %get3A_230 = tpu.vector_load %arg5[%get3A_228, %get3A_229] {strides = array<i32>} : memref<392x128xf32, #tpu.memory_space<vmem>>, vector<16xf32>,
        %max3A_231 = arith.maximumf %max3A_215, %get3A_230 : vector<16xf32>
        %min3A_232 = arith.minimumf %max3A_215, %get3A_230 : vector<16xf32>
        %max3A_233 = arith.maximumf %max3A_217, %min3A_232 : vector<16xf32>
        %min3A_234 = arith.minimumf %max3A_217, %min3A_232 : vector<16xf32>
        %max3A_235 = arith.maximumf %max3A_219, %min3A_234 : vector<16xf32>
        %min3A_236 = arith.minimumf %max3A_219, %min3A_234 : vector<16xf32>
        %max3A_237 = arith.maximumf %max3A_221, %min3A_236 : vector<16xf32>
        %min3A_238 = arith.minimumf %max3A_221, %min3A_236 : vector<16xf32>
        %max3A_239 = arith.maximumf %max3A_223, %min3A_238 : vector<16xf32>
        %min3A_240 = arith.minimumf %max3A_223, %min3A_238 : vector<16xf32>
        %max3A_241 = arith.maximumf %max3A_225, %min3A_240 : vector<16xf32>
        scf.yield %max3A_231, %max3A_233, %max3A_235, %max3A_237, %max3A_239, %max3A_241 : vector<16xf32>, vector<16xf32>, vector<16xf32>, vector<16xf32>, vector<16xf32>, vector<16xf32>
      }
      %scan3A_76 = arith.constant 392 : i32
      %gt3A = arith.cmpf ogt, %scan3A_75#0, %scan3A_75#5 : vector<16xf32>
      %convert_element_type3A = arith.extui %gt3A : vector<16xi1> to vector<16xi32>
      %convert_element_type3A_77 = arith.sitofp %convert_element_type3A : vector<16xi32> to vector<16xf32>
      %gt3A_78 = arith.cmpf ogt, %scan3A_75#1, %scan3A_75#5 : vector<16xf32>
      %convert_element_type3A_79 = arith.extui %gt3A_78 : vector<16xi1> to vector<16xi32>
      %convert_element_type3A_80 = arith.sitofp %convert_element_type3A_79 : vector<16xi32> to vector<16xf32>
      %add3A_81 = arith.addf %convert_element_type3A_77, %convert_element_type3A_80 : vector<16xf32>
      %gt3A_82 = arith.cmpf ogt, %scan3A_75#2, %scan3A_75#5 : vector<16xf32>
      %convert_element_type3A_83 = arith.extui %gt3A_82 : vector<16xi1> to vector<16xi32>
      %convert_element_type3A_84 = arith.sitofp %convert_element_type3A_83 : vector<16xi32> to vector<16xf32>
      %add3A_85 = arith.addf %add3A_81, %convert_element_type3A_84 : vector<16xf32>
      %gt3A_86 = arith.cmpf ogt, %scan3A_75#3, %scan3A_75#5 : vector<16xf32>
      %convert_element_type3A_87 = arith.extui %gt3A_86 : vector<16xi1> to vector<16xi32>
      %convert_element_type3A_88 = arith.sitofp %convert_element_type3A_87 : vector<16xi32> to vector<16xf32>
      %add3A_89 = arith.addf %add3A_85, %convert_element_type3A_88 : vector<16xf32>
      %gt3A_90 = arith.cmpf ogt, %scan3A_75#4, %scan3A_75#5 : vector<16xf32>
      %convert_element_type3A_91 = arith.extui %gt3A_90 : vector<16xi1> to vector<16xi32>
      %convert_element_type3A_92 = arith.sitofp %convert_element_type3A_91 : vector<16xi32> to vector<16xf32>
      %add3A_93 = arith.addf %add3A_89, %convert_element_type3A_92 : vector<16xf32>
      %mul3A_94 = arith.constant 8 : i32
      %mul3A_95 = arith.muli %mul3A_12, %mul3A_94 : i32
      %add3A_96 = arith.addi %mul3A_95, %scan3A_67 : i32
      %mul3A_97 = arith.constant 16 : i32
      %mul3A_98 = arith.muli %add3A_96, %mul3A_97 : i32
      %add3A_99 = vector.broadcast %mul3A_98 : i32 to vector<16xi32>
      %add3A_100 = arith.addi %add3A_99, %iota3A : vector<16xi32>
      %gather3A = tpu.vector_load_idx %arg7[%add3A_100] : memref<256xi32, #tpu.memory_space<vmem>>[vector<16xi32>], vector<16xi32>,
      %add3A_101 = vector.broadcast %mul3A_70 : i32 to vector<16xi32>
      %add3A_102 = arith.addi %add3A_101, %iota3A : vector<16xi32>
      %gather3A_103 = tpu.vector_load_idx %arg5[%gather3A, %add3A_102] : memref<392x128xf32, #tpu.memory_space<vmem>>[vector<16xi32>, vector<16xi32>], vector<16xf32>,
      %gt3A_104 = arith.cmpf ogt, %gather3A_103, %scan3A_75#5 : vector<16xf32>
      %convert_element_type3A_105 = arith.extui %gt3A_104 : vector<16xi1> to vector<16xi32>
      %convert_element_type3A_106 = arith.sitofp %convert_element_type3A_105 : vector<16xi32> to vector<16xf32>
      %add3A_107 = arith.constant 1.000000e+00 : f32
      %add3A_108 = vector.broadcast %add3A_107 : f32 to vector<16xf32>
      %add3A_109 = arith.addf %add3A_93, %add3A_108 : vector<16xf32>
      %sub3A = arith.subf %add3A_109, %convert_element_type3A_106 : vector<16xf32>
      %div3A = arith.divf %convert_element_type3A_106, %sub3A : vector<16xf32>
      %add3A_110 = arith.addf %scan3A_68, %div3A : vector<16xf32>
      scf.yield %add3A_110 : vector<16xf32>
    }
    %scan3A_35 = arith.constant 8 : i32
    %mul3A_36 = arith.constant 128 : i32
    %mul3A_37 = arith.muli %add3A_16, %mul3A_36 : i32
    %add3A_38 = arith.addi %mul3A_2, %mul3A_37 : i32
    %dma_wait3A_39 = arith.constant 0 : i32
    %dma_wait3A_40 = tpu.memref_slice %arg2[%dma_wait3A_39, %add3A_38] : memref<392x16384xf32, #tpu.memory_space<hbm>> -> memref<392x128xf32, #tpu.memory_space<hbm>>
    %dma_wait3A_41 = arith.constant 0 : i32
    %dma_wait3A_42 = tpu.memref_slice %arg2[%dma_wait3A_41, %add3A_38] : memref<392x16384xf32, #tpu.memory_space<hbm>> -> memref<392x128xf32, #tpu.memory_space<hbm>>
    tpu.wait_dma2 semaphore(%arg10 : memref<!tpu.dma_semaphore, #tpu.memory_space<semaphore_mem>>) src(%dma_wait3A_42 : memref<392x128xf32, #tpu.memory_space<hbm>>) dst(%arg6 : memref<392x128xf32, #tpu.memory_space<vmem>>)
    %add3A_43 = arith.constant 2 : i32
    %add3A_44 = arith.addi %mul3A_12, %add3A_43 : i32
    %min3A = arith.constant 1 : i32
    %min3A_45 = arith.minsi %add3A_44, %min3A : i32
    %mul3A_46 = arith.constant 128 : i32
    %mul3A_47 = arith.muli %min3A_45, %mul3A_46 : i32
    %add3A_48 = arith.addi %mul3A_2, %mul3A_47 : i32
    %dma_start3A_49 = arith.constant 0 : i32
    %dma_start3A_50 = tpu.memref_slice %arg2[%dma_start3A_49, %add3A_48] : memref<392x16384xf32, #tpu.memory_space<hbm>> -> memref<392x128xf32, #tpu.memory_space<hbm>>
    %dma_start3A_51 = arith.constant 0 : i32
    %dma_start3A_52 = tpu.memref_slice %arg2[%dma_start3A_51, %add3A_48] : memref<392x16384xf32, #tpu.memory_space<hbm>> -> memref<392x128xf32, #tpu.memory_space<hbm>>
    tpu.enqueue_dma source(%dma_start3A_52 : memref<392x128xf32, #tpu.memory_space<hbm>>) target(%arg5 : memref<392x128xf32, #tpu.memory_space<vmem>>) target_semaphore(%arg9 : memref<!tpu.dma_semaphore, #tpu.memory_space<semaphore_mem>>)
    %scan3A_53 = arith.constant 0 : i32
    %scan3A_54 = arith.constant 8 : i32
    %scan3A_55 = arith.addi %scan3A_53, %scan3A_54 : i32
    %scan3A_56 = arith.constant 1 : i32
    %scan3A_57 = scf.for %scan3A_67 = %scan3A_53 to %scan3A_55 step %scan3A_56 iter_args(%scan3A_68 = %scan3A_34) -> (vector<16xf32>)  : i32 {
      %mul3A_69 = arith.constant 16 : i32
      %mul3A_70 = arith.muli %scan3A_67, %mul3A_69 : i32
      %scan3A_71 = arith.constant 0 : i32
      %scan3A_72 = arith.constant 392 : i32
      %scan3A_73 = arith.addi %scan3A_71, %scan3A_72 : i32
      %scan3A_74 = arith.constant 8 : i32
      %scan3A_75:6 = scf.for %scan3A_111 = %scan3A_71 to %scan3A_73 step %scan3A_74 iter_args(%scan3A_112 = %broadcast_in_dim3A_3, %scan3A_113 = %broadcast_in_dim3A_3, %scan3A_114 = %broadcast_in_dim3A_3, %scan3A_115 = %broadcast_in_dim3A_3, %scan3A_116 = %broadcast_in_dim3A_3, %scan3A_117 = %broadcast_in_dim3A_3) -> (vector<16xf32>, vector<16xf32>, vector<16xf32>, vector<16xf32>, vector<16xf32>, vector<16xf32>)  : i32 {
        %get3A = arith.index_cast %scan3A_111 : i32 to index
        %get3A_118 = arith.index_cast %mul3A_70 : i32 to index
        %get3A_119 = tpu.vector_load %arg6[%get3A, %get3A_118] {strides = array<i32>} : memref<392x128xf32, #tpu.memory_space<vmem>>, vector<16xf32>,
        %max3A = arith.maximumf %scan3A_112, %get3A_119 : vector<16xf32>
        %min3A_120 = arith.minimumf %scan3A_112, %get3A_119 : vector<16xf32>
        %max3A_121 = arith.maximumf %scan3A_113, %min3A_120 : vector<16xf32>
        %min3A_122 = arith.minimumf %scan3A_113, %min3A_120 : vector<16xf32>
        %max3A_123 = arith.maximumf %scan3A_114, %min3A_122 : vector<16xf32>
        %min3A_124 = arith.minimumf %scan3A_114, %min3A_122 : vector<16xf32>
        %max3A_125 = arith.maximumf %scan3A_115, %min3A_124 : vector<16xf32>
        %min3A_126 = arith.minimumf %scan3A_115, %min3A_124 : vector<16xf32>
        %max3A_127 = arith.maximumf %scan3A_116, %min3A_126 : vector<16xf32>
        %min3A_128 = arith.minimumf %scan3A_116, %min3A_126 : vector<16xf32>
        %max3A_129 = arith.maximumf %scan3A_117, %min3A_128 : vector<16xf32>
        %scan3A_130 = arith.constant 1 : i32
        %scan3A_131 = arith.addi %scan3A_111, %scan3A_130 : i32
        %get3A_132 = arith.index_cast %scan3A_131 : i32 to index
        %get3A_133 = arith.index_cast %mul3A_70 : i32 to index
        %get3A_134 = tpu.vector_load %arg6[%get3A_132, %get3A_133] {strides = array<i32>} : memref<392x128xf32, #tpu.memory_space<vmem>>, vector<16xf32>,
        %max3A_135 = arith.maximumf %max3A, %get3A_134 : vector<16xf32>
        %min3A_136 = arith.minimumf %max3A, %get3A_134 : vector<16xf32>
        %max3A_137 = arith.maximumf %max3A_121, %min3A_136 : vector<16xf32>
        %min3A_138 = arith.minimumf %max3A_121, %min3A_136 : vector<16xf32>
        %max3A_139 = arith.maximumf %max3A_123, %min3A_138 : vector<16xf32>
        %min3A_140 = arith.minimumf %max3A_123, %min3A_138 : vector<16xf32>
        %max3A_141 = arith.maximumf %max3A_125, %min3A_140 : vector<16xf32>
        %min3A_142 = arith.minimumf %max3A_125, %min3A_140 : vector<16xf32>
        %max3A_143 = arith.maximumf %max3A_127, %min3A_142 : vector<16xf32>
        %min3A_144 = arith.minimumf %max3A_127, %min3A_142 : vector<16xf32>
        %max3A_145 = arith.maximumf %max3A_129, %min3A_144 : vector<16xf32>
        %scan3A_146 = arith.constant 2 : i32
        %scan3A_147 = arith.addi %scan3A_111, %scan3A_146 : i32
        %get3A_148 = arith.index_cast %scan3A_147 : i32 to index
        %get3A_149 = arith.index_cast %mul3A_70 : i32 to index
        %get3A_150 = tpu.vector_load %arg6[%get3A_148, %get3A_149] {strides = array<i32>} : memref<392x128xf32, #tpu.memory_space<vmem>>, vector<16xf32>,
        %max3A_151 = arith.maximumf %max3A_135, %get3A_150 : vector<16xf32>
        %min3A_152 = arith.minimumf %max3A_135, %get3A_150 : vector<16xf32>
        %max3A_153 = arith.maximumf %max3A_137, %min3A_152 : vector<16xf32>
        %min3A_154 = arith.minimumf %max3A_137, %min3A_152 : vector<16xf32>
        %max3A_155 = arith.maximumf %max3A_139, %min3A_154 : vector<16xf32>
        %min3A_156 = arith.minimumf %max3A_139, %min3A_154 : vector<16xf32>
        %max3A_157 = arith.maximumf %max3A_141, %min3A_156 : vector<16xf32>
        %min3A_158 = arith.minimumf %max3A_141, %min3A_156 : vector<16xf32>
        %max3A_159 = arith.maximumf %max3A_143, %min3A_158 : vector<16xf32>
        %min3A_160 = arith.minimumf %max3A_143, %min3A_158 : vector<16xf32>
        %max3A_161 = arith.maximumf %max3A_145, %min3A_160 : vector<16xf32>
        %scan3A_162 = arith.constant 3 : i32
        %scan3A_163 = arith.addi %scan3A_111, %scan3A_162 : i32
        %get3A_164 = arith.index_cast %scan3A_163 : i32 to index
        %get3A_165 = arith.index_cast %mul3A_70 : i32 to index
        %get3A_166 = tpu.vector_load %arg6[%get3A_164, %get3A_165] {strides = array<i32>} : memref<392x128xf32, #tpu.memory_space<vmem>>, vector<16xf32>,
        %max3A_167 = arith.maximumf %max3A_151, %get3A_166 : vector<16xf32>
        %min3A_168 = arith.minimumf %max3A_151, %get3A_166 : vector<16xf32>
        %max3A_169 = arith.maximumf %max3A_153, %min3A_168 : vector<16xf32>
        %min3A_170 = arith.minimumf %max3A_153, %min3A_168 : vector<16xf32>
        %max3A_171 = arith.maximumf %max3A_155, %min3A_170 : vector<16xf32>
        %min3A_172 = arith.minimumf %max3A_155, %min3A_170 : vector<16xf32>
        %max3A_173 = arith.maximumf %max3A_157, %min3A_172 : vector<16xf32>
        %min3A_174 = arith.minimumf %max3A_157, %min3A_172 : vector<16xf32>
        %max3A_175 = arith.maximumf %max3A_159, %min3A_174 : vector<16xf32>
        %min3A_176 = arith.minimumf %max3A_159, %min3A_174 : vector<16xf32>
        %max3A_177 = arith.maximumf %max3A_161, %min3A_176 : vector<16xf32>
        %scan3A_178 = arith.constant 4 : i32
        %scan3A_179 = arith.addi %scan3A_111, %scan3A_178 : i32
        %get3A_180 = arith.index_cast %scan3A_179 : i32 to index
        %get3A_181 = arith.index_cast %mul3A_70 : i32 to index
        %get3A_182 = tpu.vector_load %arg6[%get3A_180, %get3A_181] {strides = array<i32>} : memref<392x128xf32, #tpu.memory_space<vmem>>, vector<16xf32>,
        %max3A_183 = arith.maximumf %max3A_167, %get3A_182 : vector<16xf32>
        %min3A_184 = arith.minimumf %max3A_167, %get3A_182 : vector<16xf32>
        %max3A_185 = arith.maximumf %max3A_169, %min3A_184 : vector<16xf32>
        %min3A_186 = arith.minimumf %max3A_169, %min3A_184 : vector<16xf32>
        %max3A_187 = arith.maximumf %max3A_171, %min3A_186 : vector<16xf32>
        %min3A_188 = arith.minimumf %max3A_171, %min3A_186 : vector<16xf32>
        %max3A_189 = arith.maximumf %max3A_173, %min3A_188 : vector<16xf32>
        %min3A_190 = arith.minimumf %max3A_173, %min3A_188 : vector<16xf32>
        %max3A_191 = arith.maximumf %max3A_175, %min3A_190 : vector<16xf32>
        %min3A_192 = arith.minimumf %max3A_175, %min3A_190 : vector<16xf32>
        %max3A_193 = arith.maximumf %max3A_177, %min3A_192 : vector<16xf32>
        %scan3A_194 = arith.constant 5 : i32
        %scan3A_195 = arith.addi %scan3A_111, %scan3A_194 : i32
        %get3A_196 = arith.index_cast %scan3A_195 : i32 to index
        %get3A_197 = arith.index_cast %mul3A_70 : i32 to index
        %get3A_198 = tpu.vector_load %arg6[%get3A_196, %get3A_197] {strides = array<i32>} : memref<392x128xf32, #tpu.memory_space<vmem>>, vector<16xf32>,
        %max3A_199 = arith.maximumf %max3A_183, %get3A_198 : vector<16xf32>
        %min3A_200 = arith.minimumf %max3A_183, %get3A_198 : vector<16xf32>
        %max3A_201 = arith.maximumf %max3A_185, %min3A_200 : vector<16xf32>
        %min3A_202 = arith.minimumf %max3A_185, %min3A_200 : vector<16xf32>
        %max3A_203 = arith.maximumf %max3A_187, %min3A_202 : vector<16xf32>
        %min3A_204 = arith.minimumf %max3A_187, %min3A_202 : vector<16xf32>
        %max3A_205 = arith.maximumf %max3A_189, %min3A_204 : vector<16xf32>
        %min3A_206 = arith.minimumf %max3A_189, %min3A_204 : vector<16xf32>
        %max3A_207 = arith.maximumf %max3A_191, %min3A_206 : vector<16xf32>
        %min3A_208 = arith.minimumf %max3A_191, %min3A_206 : vector<16xf32>
        %max3A_209 = arith.maximumf %max3A_193, %min3A_208 : vector<16xf32>
        %scan3A_210 = arith.constant 6 : i32
        %scan3A_211 = arith.addi %scan3A_111, %scan3A_210 : i32
        %get3A_212 = arith.index_cast %scan3A_211 : i32 to index
        %get3A_213 = arith.index_cast %mul3A_70 : i32 to index
        %get3A_214 = tpu.vector_load %arg6[%get3A_212, %get3A_213] {strides = array<i32>} : memref<392x128xf32, #tpu.memory_space<vmem>>, vector<16xf32>,
        %max3A_215 = arith.maximumf %max3A_199, %get3A_214 : vector<16xf32>
        %min3A_216 = arith.minimumf %max3A_199, %get3A_214 : vector<16xf32>
        %max3A_217 = arith.maximumf %max3A_201, %min3A_216 : vector<16xf32>
        %min3A_218 = arith.minimumf %max3A_201, %min3A_216 : vector<16xf32>
        %max3A_219 = arith.maximumf %max3A_203, %min3A_218 : vector<16xf32>
        %min3A_220 = arith.minimumf %max3A_203, %min3A_218 : vector<16xf32>
        %max3A_221 = arith.maximumf %max3A_205, %min3A_220 : vector<16xf32>
        %min3A_222 = arith.minimumf %max3A_205, %min3A_220 : vector<16xf32>
        %max3A_223 = arith.maximumf %max3A_207, %min3A_222 : vector<16xf32>
        %min3A_224 = arith.minimumf %max3A_207, %min3A_222 : vector<16xf32>
        %max3A_225 = arith.maximumf %max3A_209, %min3A_224 : vector<16xf32>
        %scan3A_226 = arith.constant 7 : i32
        %scan3A_227 = arith.addi %scan3A_111, %scan3A_226 : i32
        %get3A_228 = arith.index_cast %scan3A_227 : i32 to index
        %get3A_229 = arith.index_cast %mul3A_70 : i32 to index
        %get3A_230 = tpu.vector_load %arg6[%get3A_228, %get3A_229] {strides = array<i32>} : memref<392x128xf32, #tpu.memory_space<vmem>>, vector<16xf32>,
        %max3A_231 = arith.maximumf %max3A_215, %get3A_230 : vector<16xf32>
        %min3A_232 = arith.minimumf %max3A_215, %get3A_230 : vector<16xf32>
        %max3A_233 = arith.maximumf %max3A_217, %min3A_232 : vector<16xf32>
        %min3A_234 = arith.minimumf %max3A_217, %min3A_232 : vector<16xf32>
        %max3A_235 = arith.maximumf %max3A_219, %min3A_234 : vector<16xf32>
        %min3A_236 = arith.minimumf %max3A_219, %min3A_234 : vector<16xf32>
        %max3A_237 = arith.maximumf %max3A_221, %min3A_236 : vector<16xf32>
        %min3A_238 = arith.minimumf %max3A_221, %min3A_236 : vector<16xf32>
        %max3A_239 = arith.maximumf %max3A_223, %min3A_238 : vector<16xf32>
        %min3A_240 = arith.minimumf %max3A_223, %min3A_238 : vector<16xf32>
        %max3A_241 = arith.maximumf %max3A_225, %min3A_240 : vector<16xf32>
        scf.yield %max3A_231, %max3A_233, %max3A_235, %max3A_237, %max3A_239, %max3A_241 : vector<16xf32>, vector<16xf32>, vector<16xf32>, vector<16xf32>, vector<16xf32>, vector<16xf32>
      }
      %scan3A_76 = arith.constant 392 : i32
      %gt3A = arith.cmpf ogt, %scan3A_75#0, %scan3A_75#5 : vector<16xf32>
      %convert_element_type3A = arith.extui %gt3A : vector<16xi1> to vector<16xi32>
      %convert_element_type3A_77 = arith.sitofp %convert_element_type3A : vector<16xi32> to vector<16xf32>
      %gt3A_78 = arith.cmpf ogt, %scan3A_75#1, %scan3A_75#5 : vector<16xf32>
      %convert_element_type3A_79 = arith.extui %gt3A_78 : vector<16xi1> to vector<16xi32>
      %convert_element_type3A_80 = arith.sitofp %convert_element_type3A_79 : vector<16xi32> to vector<16xf32>
      %add3A_81 = arith.addf %convert_element_type3A_77, %convert_element_type3A_80 : vector<16xf32>
      %gt3A_82 = arith.cmpf ogt, %scan3A_75#2, %scan3A_75#5 : vector<16xf32>
      %convert_element_type3A_83 = arith.extui %gt3A_82 : vector<16xi1> to vector<16xi32>
      %convert_element_type3A_84 = arith.sitofp %convert_element_type3A_83 : vector<16xi32> to vector<16xf32>
      %add3A_85 = arith.addf %add3A_81, %convert_element_type3A_84 : vector<16xf32>
      %gt3A_86 = arith.cmpf ogt, %scan3A_75#3, %scan3A_75#5 : vector<16xf32>
      %convert_element_type3A_87 = arith.extui %gt3A_86 : vector<16xi1> to vector<16xi32>
      %convert_element_type3A_88 = arith.sitofp %convert_element_type3A_87 : vector<16xi32> to vector<16xf32>
      %add3A_89 = arith.addf %add3A_85, %convert_element_type3A_88 : vector<16xf32>
      %gt3A_90 = arith.cmpf ogt, %scan3A_75#4, %scan3A_75#5 : vector<16xf32>
      %convert_element_type3A_91 = arith.extui %gt3A_90 : vector<16xi1> to vector<16xi32>
      %convert_element_type3A_92 = arith.sitofp %convert_element_type3A_91 : vector<16xi32> to vector<16xf32>
      %add3A_93 = arith.addf %add3A_89, %convert_element_type3A_92 : vector<16xf32>
      %mul3A_94 = arith.constant 8 : i32
      %mul3A_95 = arith.muli %add3A_16, %mul3A_94 : i32
      %add3A_96 = arith.addi %mul3A_95, %scan3A_67 : i32
      %mul3A_97 = arith.constant 16 : i32
      %mul3A_98 = arith.muli %add3A_96, %mul3A_97 : i32
      %add3A_99 = vector.broadcast %mul3A_98 : i32 to vector<16xi32>
      %add3A_100 = arith.addi %add3A_99, %iota3A : vector<16xi32>
      %gather3A = tpu.vector_load_idx %arg7[%add3A_100] : memref<256xi32, #tpu.memory_space<vmem>>[vector<16xi32>], vector<16xi32>,
      %add3A_101 = vector.broadcast %mul3A_70 : i32 to vector<16xi32>
      %add3A_102 = arith.addi %add3A_101, %iota3A : vector<16xi32>
      %gather3A_103 = tpu.vector_load_idx %arg6[%gather3A, %add3A_102] : memref<392x128xf32, #tpu.memory_space<vmem>>[vector<16xi32>, vector<16xi32>], vector<16xf32>,
      %gt3A_104 = arith.cmpf ogt, %gather3A_103, %scan3A_75#5 : vector<16xf32>
      %convert_element_type3A_105 = arith.extui %gt3A_104 : vector<16xi1> to vector<16xi32>
      %convert_element_type3A_106 = arith.sitofp %convert_element_type3A_105 : vector<16xi32> to vector<16xf32>
      %add3A_107 = arith.constant 1.000000e+00 : f32
      %add3A_108 = vector.broadcast %add3A_107 : f32 to vector<16xf32>
      %add3A_109 = arith.addf %add3A_93, %add3A_108 : vector<16xf32>
      %sub3A = arith.subf %add3A_109, %convert_element_type3A_106 : vector<16xf32>
      %div3A = arith.divf %convert_element_type3A_106, %sub3A : vector<16xf32>
      %add3A_110 = arith.addf %scan3A_68, %div3A : vector<16xf32>
      scf.yield %add3A_110 : vector<16xf32>
    }
    %scan3A_58 = arith.constant 8 : i32
    %scan3A_59 = arith.constant 1 : i32
    %add3A_60 = arith.constant 128 : i32
    %add3A_61 = arith.addi %mul3A_2, %add3A_60 : i32
    %dma_wait3A_62 = arith.constant 0 : i32
    %dma_wait3A_63 = tpu.memref_slice %arg2[%dma_wait3A_62, %add3A_61] : memref<392x16384xf32, #tpu.memory_space<hbm>> -> memref<392x128xf32, #tpu.memory_space<hbm>>
    %dma_wait3A_64 = arith.constant 0 : i32
    %dma_wait3A_65 = tpu.memref_slice %arg2[%dma_wait3A_64, %add3A_61] : memref<392x16384xf32, #tpu.memory_space<hbm>> -> memref<392x128xf32, #tpu.memory_space<hbm>>
    tpu.wait_dma2 semaphore(%arg9 : memref<!tpu.dma_semaphore, #tpu.memory_space<semaphore_mem>>) src(%dma_wait3A_65 : memref<392x128xf32, #tpu.memory_space<hbm>>) dst(%arg5 : memref<392x128xf32, #tpu.memory_space<vmem>>)
    %swap3A = arith.constant 0 : index
    %swap3A_66 = tpu.vector_load %arg8[%swap3A] {strides = array<i32>} : memref<16xf32, #tpu.memory_space<vmem>>, vector<16xf32>,
    tpu.vector_store %arg8[%swap3A], %scan3A_57 {strides = array<i32>} : memref<16xf32, #tpu.memory_space<vmem>>, vector<16xf32>,
    "tpu.region"() ({
      %run_scoped3A = tpu.sem_alloc : memref<!tpu.dma_semaphore, #tpu.memory_space<semaphore_mem>>
      %dma_start3A_67 = arith.constant 0 : i32
      %dma_start3A_68 = tpu.memref_slice %arg4[%add3A, %dma_start3A_67] : memref<32x16xf32, #tpu.memory_space<hbm>> -> memref<1x16xf32, #tpu.memory_space<hbm>>
      %dma_start3A_69 = tpu.memref_squeeze %dma_start3A_68 : memref<1x16xf32, #tpu.memory_space<hbm>> -> memref<16xf32, #tpu.memory_space<hbm>>
      %dma_start3A_70 = arith.constant 0 : i32
      %dma_start3A_71 = tpu.memref_slice %arg4[%add3A, %dma_start3A_70] : memref<32x16xf32, #tpu.memory_space<hbm>> -> memref<1x16xf32, #tpu.memory_space<hbm>>
      %dma_start3A_72 = tpu.memref_squeeze %dma_start3A_71 : memref<1x16xf32, #tpu.memory_space<hbm>> -> memref<16xf32, #tpu.memory_space<hbm>>
      tpu.enqueue_dma source(%arg8 : memref<16xf32, #tpu.memory_space<vmem>>) target(%dma_start3A_72 : memref<16xf32, #tpu.memory_space<hbm>>) target_semaphore(%run_scoped3A : memref<!tpu.dma_semaphore, #tpu.memory_space<semaphore_mem>>)
      %dma_wait3A_73 = arith.constant 0 : i32
      %dma_wait3A_74 = tpu.memref_slice %arg4[%add3A, %dma_wait3A_73] : memref<32x16xf32, #tpu.memory_space<hbm>> -> memref<1x16xf32, #tpu.memory_space<hbm>>
      %dma_wait3A_75 = tpu.memref_squeeze %dma_wait3A_74 : memref<1x16xf32, #tpu.memory_space<hbm>> -> memref<16xf32, #tpu.memory_space<hbm>>
      %dma_wait3A_76 = arith.constant 0 : i32
      %dma_wait3A_77 = tpu.memref_slice %arg4[%add3A, %dma_wait3A_76] : memref<32x16xf32, #tpu.memory_space<hbm>> -> memref<1x16xf32, #tpu.memory_space<hbm>>
      %dma_wait3A_78 = tpu.memref_squeeze %dma_wait3A_77 : memref<1x16xf32, #tpu.memory_space<hbm>> -> memref<16xf32, #tpu.memory_space<hbm>>
      tpu.wait_dma2 semaphore(%run_scoped3A : memref<!tpu.dma_semaphore, #tpu.memory_space<semaphore_mem>>) src(%arg8 : memref<16xf32, #tpu.memory_space<vmem>>) dst(%dma_wait3A_78 : memref<16xf32, #tpu.memory_space<hbm>>)
      tpu.yield
    }) : () -> ()
    return
  }
}

module attributes {stable_mosaic.version = 14 : i64} {
  func.func @_iou_tc_body(%arg0: i32, %arg1: memref<1x1x256xi32, #tpu.memory_space<vmem>>, %arg2: memref<392x256xf32, #tpu.memory_space<vmem>>, %arg3: memref<1x256xf32, #tpu.memory_space<vmem>>) attributes {dimension_semantics = [#tpu.dimension_semantics<arbitrary>], iteration_bounds = array<i64: 32>, scalar_prefetch = 0 : i64, scratch_operands = 0 : i64, tpu.core_type = #tpu.core_type<tc>, window_params = [{transform_indices = @transform_0, window_bounds = array<i64: 1, 1, 256>}, {transform_indices = @transform_1, window_bounds = array<i64: 392, 256>}, {pipeline_mode = #tpu.pipeline_mode<synchronous>, transform_indices = @transform_2, window_bounds = array<i64: 1, 256>}]} {
    %get3A = arith.constant 0 : index
    %get3A_0 = arith.constant 0 : index
    %get3A_1 = vector.load %arg2[%get3A, %get3A_0] : memref<392x256xf32, #tpu.memory_space<vmem>>, vector<392x256xf32>
    %reshape3A = vector.shape_cast %get3A_1 : vector<392x256xf32> to vector<49x8x256xf32>
    %get3A_2 = arith.constant 0 : index
    %get3A_3 = arith.constant 0 : index
    %get3A_4 = arith.constant 0 : index
    %get3A_5 = vector.load %arg1[%get3A_2, %get3A_3, %get3A_4] : memref<1x1x256xi32, #tpu.memory_space<vmem>>, vector<1x1x256xi32>
    %get3A_6 = vector.shape_cast %get3A_5 : vector<1x1x256xi32> to vector<256xi32>
    %broadcast_in_dim3A = vector.shape_cast %get3A_6 : vector<256xi32> to vector<1x256xi32>
    %broadcast_in_dim3A_7 = vector.shape_cast %broadcast_in_dim3A : vector<1x256xi32> to vector<1x256xi32>
    %broadcast_in_dim3A_8 = vector.broadcast %broadcast_in_dim3A_7 : vector<1x256xi32> to vector<8x256xi32>
    %iota3A = tpu.iota {dimensions = array<i32: 0>} : vector<8x256xi32>
    %sub3A = arith.subi %broadcast_in_dim3A_8, %iota3A : vector<8x256xi32>
    %broadcast_in_dim3A_9 = arith.constant 0xFF800000 : f32
    %broadcast_in_dim3A_10 = vector.broadcast %broadcast_in_dim3A_9 : f32 to vector<8x256xf32>
    %slice3A = vector.extract_strided_slice %reshape3A {offsets = [0, 0, 0], sizes = [1, 8, 256], strides = [1, 1, 1]} : vector<49x8x256xf32> to vector<1x8x256xf32>
    %squeeze3A = vector.shape_cast %slice3A : vector<1x8x256xf32> to vector<8x256xf32>
    %max3A = arith.maximumf %broadcast_in_dim3A_10, %squeeze3A : vector<8x256xf32>
    %min3A = arith.minimumf %broadcast_in_dim3A_10, %squeeze3A : vector<8x256xf32>
    %max3A_11 = arith.maximumf %broadcast_in_dim3A_10, %min3A : vector<8x256xf32>
    %min3A_12 = arith.minimumf %broadcast_in_dim3A_10, %min3A : vector<8x256xf32>
    %max3A_13 = arith.maximumf %broadcast_in_dim3A_10, %min3A_12 : vector<8x256xf32>
    %min3A_14 = arith.minimumf %broadcast_in_dim3A_10, %min3A_12 : vector<8x256xf32>
    %max3A_15 = arith.maximumf %broadcast_in_dim3A_10, %min3A_14 : vector<8x256xf32>
    %min3A_16 = arith.minimumf %broadcast_in_dim3A_10, %min3A_14 : vector<8x256xf32>
    %max3A_17 = arith.maximumf %broadcast_in_dim3A_10, %min3A_16 : vector<8x256xf32>
    %min3A_18 = arith.minimumf %broadcast_in_dim3A_10, %min3A_16 : vector<8x256xf32>
    %max3A_19 = arith.maximumf %broadcast_in_dim3A_10, %min3A_18 : vector<8x256xf32>
    %eq3A = arith.constant 0 : i32
    %eq3A_20 = vector.broadcast %eq3A : i32 to vector<8x256xi32>
    %eq3A_21 = arith.cmpi eq, %sub3A, %eq3A_20 : vector<8x256xi32>
    %select_n3A = arith.select %eq3A_21, %squeeze3A, %broadcast_in_dim3A_10 : vector<8x256xi1>, vector<8x256xf32>
    %slice3A_22 = vector.extract_strided_slice %reshape3A {offsets = [1, 0, 0], sizes = [1, 8, 256], strides = [1, 1, 1]} : vector<49x8x256xf32> to vector<1x8x256xf32>
    %squeeze3A_23 = vector.shape_cast %slice3A_22 : vector<1x8x256xf32> to vector<8x256xf32>
    %max3A_24 = arith.maximumf %max3A, %squeeze3A_23 : vector<8x256xf32>
    %min3A_25 = arith.minimumf %max3A, %squeeze3A_23 : vector<8x256xf32>
    %max3A_26 = arith.maximumf %max3A_11, %min3A_25 : vector<8x256xf32>
    %min3A_27 = arith.minimumf %max3A_11, %min3A_25 : vector<8x256xf32>
    %max3A_28 = arith.maximumf %max3A_13, %min3A_27 : vector<8x256xf32>
    %min3A_29 = arith.minimumf %max3A_13, %min3A_27 : vector<8x256xf32>
    %max3A_30 = arith.maximumf %max3A_15, %min3A_29 : vector<8x256xf32>
    %min3A_31 = arith.minimumf %max3A_15, %min3A_29 : vector<8x256xf32>
    %max3A_32 = arith.maximumf %max3A_17, %min3A_31 : vector<8x256xf32>
    %min3A_33 = arith.minimumf %max3A_17, %min3A_31 : vector<8x256xf32>
    %max3A_34 = arith.maximumf %max3A_19, %min3A_33 : vector<8x256xf32>
    %eq3A_35 = arith.constant 8 : i32
    %eq3A_36 = vector.broadcast %eq3A_35 : i32 to vector<8x256xi32>
    %eq3A_37 = arith.cmpi eq, %sub3A, %eq3A_36 : vector<8x256xi32>
    %select_n3A_38 = arith.select %eq3A_37, %squeeze3A_23, %select_n3A : vector<8x256xi1>, vector<8x256xf32>
    %slice3A_39 = vector.extract_strided_slice %reshape3A {offsets = [2, 0, 0], sizes = [1, 8, 256], strides = [1, 1, 1]} : vector<49x8x256xf32> to vector<1x8x256xf32>
    %squeeze3A_40 = vector.shape_cast %slice3A_39 : vector<1x8x256xf32> to vector<8x256xf32>
    %max3A_41 = arith.maximumf %max3A_24, %squeeze3A_40 : vector<8x256xf32>
    %min3A_42 = arith.minimumf %max3A_24, %squeeze3A_40 : vector<8x256xf32>
    %max3A_43 = arith.maximumf %max3A_26, %min3A_42 : vector<8x256xf32>
    %min3A_44 = arith.minimumf %max3A_26, %min3A_42 : vector<8x256xf32>
    %max3A_45 = arith.maximumf %max3A_28, %min3A_44 : vector<8x256xf32>
    %min3A_46 = arith.minimumf %max3A_28, %min3A_44 : vector<8x256xf32>
    %max3A_47 = arith.maximumf %max3A_30, %min3A_46 : vector<8x256xf32>
    %min3A_48 = arith.minimumf %max3A_30, %min3A_46 : vector<8x256xf32>
    %max3A_49 = arith.maximumf %max3A_32, %min3A_48 : vector<8x256xf32>
    %min3A_50 = arith.minimumf %max3A_32, %min3A_48 : vector<8x256xf32>
    %max3A_51 = arith.maximumf %max3A_34, %min3A_50 : vector<8x256xf32>
    %eq3A_52 = arith.constant 16 : i32
    %eq3A_53 = vector.broadcast %eq3A_52 : i32 to vector<8x256xi32>
    %eq3A_54 = arith.cmpi eq, %sub3A, %eq3A_53 : vector<8x256xi32>
    %select_n3A_55 = arith.select %eq3A_54, %squeeze3A_40, %select_n3A_38 : vector<8x256xi1>, vector<8x256xf32>
    %slice3A_56 = vector.extract_strided_slice %reshape3A {offsets = [3, 0, 0], sizes = [1, 8, 256], strides = [1, 1, 1]} : vector<49x8x256xf32> to vector<1x8x256xf32>
    %squeeze3A_57 = vector.shape_cast %slice3A_56 : vector<1x8x256xf32> to vector<8x256xf32>
    %max3A_58 = arith.maximumf %max3A_41, %squeeze3A_57 : vector<8x256xf32>
    %min3A_59 = arith.minimumf %max3A_41, %squeeze3A_57 : vector<8x256xf32>
    %max3A_60 = arith.maximumf %max3A_43, %min3A_59 : vector<8x256xf32>
    %min3A_61 = arith.minimumf %max3A_43, %min3A_59 : vector<8x256xf32>
    %max3A_62 = arith.maximumf %max3A_45, %min3A_61 : vector<8x256xf32>
    %min3A_63 = arith.minimumf %max3A_45, %min3A_61 : vector<8x256xf32>
    %max3A_64 = arith.maximumf %max3A_47, %min3A_63 : vector<8x256xf32>
    %min3A_65 = arith.minimumf %max3A_47, %min3A_63 : vector<8x256xf32>
    %max3A_66 = arith.maximumf %max3A_49, %min3A_65 : vector<8x256xf32>
    %min3A_67 = arith.minimumf %max3A_49, %min3A_65 : vector<8x256xf32>
    %max3A_68 = arith.maximumf %max3A_51, %min3A_67 : vector<8x256xf32>
    %eq3A_69 = arith.constant 24 : i32
    %eq3A_70 = vector.broadcast %eq3A_69 : i32 to vector<8x256xi32>
    %eq3A_71 = arith.cmpi eq, %sub3A, %eq3A_70 : vector<8x256xi32>
    %select_n3A_72 = arith.select %eq3A_71, %squeeze3A_57, %select_n3A_55 : vector<8x256xi1>, vector<8x256xf32>
    %slice3A_73 = vector.extract_strided_slice %reshape3A {offsets = [4, 0, 0], sizes = [1, 8, 256], strides = [1, 1, 1]} : vector<49x8x256xf32> to vector<1x8x256xf32>
    %squeeze3A_74 = vector.shape_cast %slice3A_73 : vector<1x8x256xf32> to vector<8x256xf32>
    %max3A_75 = arith.maximumf %max3A_58, %squeeze3A_74 : vector<8x256xf32>
    %min3A_76 = arith.minimumf %max3A_58, %squeeze3A_74 : vector<8x256xf32>
    %max3A_77 = arith.maximumf %max3A_60, %min3A_76 : vector<8x256xf32>
    %min3A_78 = arith.minimumf %max3A_60, %min3A_76 : vector<8x256xf32>
    %max3A_79 = arith.maximumf %max3A_62, %min3A_78 : vector<8x256xf32>
    %min3A_80 = arith.minimumf %max3A_62, %min3A_78 : vector<8x256xf32>
    %max3A_81 = arith.maximumf %max3A_64, %min3A_80 : vector<8x256xf32>
    %min3A_82 = arith.minimumf %max3A_64, %min3A_80 : vector<8x256xf32>
    %max3A_83 = arith.maximumf %max3A_66, %min3A_82 : vector<8x256xf32>
    %min3A_84 = arith.minimumf %max3A_66, %min3A_82 : vector<8x256xf32>
    %max3A_85 = arith.maximumf %max3A_68, %min3A_84 : vector<8x256xf32>
    %eq3A_86 = arith.constant 32 : i32
    %eq3A_87 = vector.broadcast %eq3A_86 : i32 to vector<8x256xi32>
    %eq3A_88 = arith.cmpi eq, %sub3A, %eq3A_87 : vector<8x256xi32>
    %select_n3A_89 = arith.select %eq3A_88, %squeeze3A_74, %select_n3A_72 : vector<8x256xi1>, vector<8x256xf32>
    %slice3A_90 = vector.extract_strided_slice %reshape3A {offsets = [5, 0, 0], sizes = [1, 8, 256], strides = [1, 1, 1]} : vector<49x8x256xf32> to vector<1x8x256xf32>
    %squeeze3A_91 = vector.shape_cast %slice3A_90 : vector<1x8x256xf32> to vector<8x256xf32>
    %max3A_92 = arith.maximumf %max3A_75, %squeeze3A_91 : vector<8x256xf32>
    %min3A_93 = arith.minimumf %max3A_75, %squeeze3A_91 : vector<8x256xf32>
    %max3A_94 = arith.maximumf %max3A_77, %min3A_93 : vector<8x256xf32>
    %min3A_95 = arith.minimumf %max3A_77, %min3A_93 : vector<8x256xf32>
    %max3A_96 = arith.maximumf %max3A_79, %min3A_95 : vector<8x256xf32>
    %min3A_97 = arith.minimumf %max3A_79, %min3A_95 : vector<8x256xf32>
    %max3A_98 = arith.maximumf %max3A_81, %min3A_97 : vector<8x256xf32>
    %min3A_99 = arith.minimumf %max3A_81, %min3A_97 : vector<8x256xf32>
    %max3A_100 = arith.maximumf %max3A_83, %min3A_99 : vector<8x256xf32>
    %min3A_101 = arith.minimumf %max3A_83, %min3A_99 : vector<8x256xf32>
    %max3A_102 = arith.maximumf %max3A_85, %min3A_101 : vector<8x256xf32>
    %eq3A_103 = arith.constant 40 : i32
    %eq3A_104 = vector.broadcast %eq3A_103 : i32 to vector<8x256xi32>
    %eq3A_105 = arith.cmpi eq, %sub3A, %eq3A_104 : vector<8x256xi32>
    %select_n3A_106 = arith.select %eq3A_105, %squeeze3A_91, %select_n3A_89 : vector<8x256xi1>, vector<8x256xf32>
    %slice3A_107 = vector.extract_strided_slice %reshape3A {offsets = [6, 0, 0], sizes = [1, 8, 256], strides = [1, 1, 1]} : vector<49x8x256xf32> to vector<1x8x256xf32>
    %squeeze3A_108 = vector.shape_cast %slice3A_107 : vector<1x8x256xf32> to vector<8x256xf32>
    %max3A_109 = arith.maximumf %max3A_92, %squeeze3A_108 : vector<8x256xf32>
    %min3A_110 = arith.minimumf %max3A_92, %squeeze3A_108 : vector<8x256xf32>
    %max3A_111 = arith.maximumf %max3A_94, %min3A_110 : vector<8x256xf32>
    %min3A_112 = arith.minimumf %max3A_94, %min3A_110 : vector<8x256xf32>
    %max3A_113 = arith.maximumf %max3A_96, %min3A_112 : vector<8x256xf32>
    %min3A_114 = arith.minimumf %max3A_96, %min3A_112 : vector<8x256xf32>
    %max3A_115 = arith.maximumf %max3A_98, %min3A_114 : vector<8x256xf32>
    %min3A_116 = arith.minimumf %max3A_98, %min3A_114 : vector<8x256xf32>
    %max3A_117 = arith.maximumf %max3A_100, %min3A_116 : vector<8x256xf32>
    %min3A_118 = arith.minimumf %max3A_100, %min3A_116 : vector<8x256xf32>
    %max3A_119 = arith.maximumf %max3A_102, %min3A_118 : vector<8x256xf32>
    %eq3A_120 = arith.constant 48 : i32
    %eq3A_121 = vector.broadcast %eq3A_120 : i32 to vector<8x256xi32>
    %eq3A_122 = arith.cmpi eq, %sub3A, %eq3A_121 : vector<8x256xi32>
    %select_n3A_123 = arith.select %eq3A_122, %squeeze3A_108, %select_n3A_106 : vector<8x256xi1>, vector<8x256xf32>
    %slice3A_124 = vector.extract_strided_slice %reshape3A {offsets = [7, 0, 0], sizes = [1, 8, 256], strides = [1, 1, 1]} : vector<49x8x256xf32> to vector<1x8x256xf32>
    %squeeze3A_125 = vector.shape_cast %slice3A_124 : vector<1x8x256xf32> to vector<8x256xf32>
    %max3A_126 = arith.maximumf %max3A_109, %squeeze3A_125 : vector<8x256xf32>
    %min3A_127 = arith.minimumf %max3A_109, %squeeze3A_125 : vector<8x256xf32>
    %max3A_128 = arith.maximumf %max3A_111, %min3A_127 : vector<8x256xf32>
    %min3A_129 = arith.minimumf %max3A_111, %min3A_127 : vector<8x256xf32>
    %max3A_130 = arith.maximumf %max3A_113, %min3A_129 : vector<8x256xf32>
    %min3A_131 = arith.minimumf %max3A_113, %min3A_129 : vector<8x256xf32>
    %max3A_132 = arith.maximumf %max3A_115, %min3A_131 : vector<8x256xf32>
    %min3A_133 = arith.minimumf %max3A_115, %min3A_131 : vector<8x256xf32>
    %max3A_134 = arith.maximumf %max3A_117, %min3A_133 : vector<8x256xf32>
    %min3A_135 = arith.minimumf %max3A_117, %min3A_133 : vector<8x256xf32>
    %max3A_136 = arith.maximumf %max3A_119, %min3A_135 : vector<8x256xf32>
    %eq3A_137 = arith.constant 56 : i32
    %eq3A_138 = vector.broadcast %eq3A_137 : i32 to vector<8x256xi32>
    %eq3A_139 = arith.cmpi eq, %sub3A, %eq3A_138 : vector<8x256xi32>
    %select_n3A_140 = arith.select %eq3A_139, %squeeze3A_125, %select_n3A_123 : vector<8x256xi1>, vector<8x256xf32>
    %slice3A_141 = vector.extract_strided_slice %reshape3A {offsets = [8, 0, 0], sizes = [1, 8, 256], strides = [1, 1, 1]} : vector<49x8x256xf32> to vector<1x8x256xf32>
    %squeeze3A_142 = vector.shape_cast %slice3A_141 : vector<1x8x256xf32> to vector<8x256xf32>
    %max3A_143 = arith.maximumf %max3A_126, %squeeze3A_142 : vector<8x256xf32>
    %min3A_144 = arith.minimumf %max3A_126, %squeeze3A_142 : vector<8x256xf32>
    %max3A_145 = arith.maximumf %max3A_128, %min3A_144 : vector<8x256xf32>
    %min3A_146 = arith.minimumf %max3A_128, %min3A_144 : vector<8x256xf32>
    %max3A_147 = arith.maximumf %max3A_130, %min3A_146 : vector<8x256xf32>
    %min3A_148 = arith.minimumf %max3A_130, %min3A_146 : vector<8x256xf32>
    %max3A_149 = arith.maximumf %max3A_132, %min3A_148 : vector<8x256xf32>
    %min3A_150 = arith.minimumf %max3A_132, %min3A_148 : vector<8x256xf32>
    %max3A_151 = arith.maximumf %max3A_134, %min3A_150 : vector<8x256xf32>
    %min3A_152 = arith.minimumf %max3A_134, %min3A_150 : vector<8x256xf32>
    %max3A_153 = arith.maximumf %max3A_136, %min3A_152 : vector<8x256xf32>
    %eq3A_154 = arith.constant 64 : i32
    %eq3A_155 = vector.broadcast %eq3A_154 : i32 to vector<8x256xi32>
    %eq3A_156 = arith.cmpi eq, %sub3A, %eq3A_155 : vector<8x256xi32>
    %select_n3A_157 = arith.select %eq3A_156, %squeeze3A_142, %select_n3A_140 : vector<8x256xi1>, vector<8x256xf32>
    %slice3A_158 = vector.extract_strided_slice %reshape3A {offsets = [9, 0, 0], sizes = [1, 8, 256], strides = [1, 1, 1]} : vector<49x8x256xf32> to vector<1x8x256xf32>
    %squeeze3A_159 = vector.shape_cast %slice3A_158 : vector<1x8x256xf32> to vector<8x256xf32>
    %max3A_160 = arith.maximumf %max3A_143, %squeeze3A_159 : vector<8x256xf32>
    %min3A_161 = arith.minimumf %max3A_143, %squeeze3A_159 : vector<8x256xf32>
    %max3A_162 = arith.maximumf %max3A_145, %min3A_161 : vector<8x256xf32>
    %min3A_163 = arith.minimumf %max3A_145, %min3A_161 : vector<8x256xf32>
    %max3A_164 = arith.maximumf %max3A_147, %min3A_163 : vector<8x256xf32>
    %min3A_165 = arith.minimumf %max3A_147, %min3A_163 : vector<8x256xf32>
    %max3A_166 = arith.maximumf %max3A_149, %min3A_165 : vector<8x256xf32>
    %min3A_167 = arith.minimumf %max3A_149, %min3A_165 : vector<8x256xf32>
    %max3A_168 = arith.maximumf %max3A_151, %min3A_167 : vector<8x256xf32>
    %min3A_169 = arith.minimumf %max3A_151, %min3A_167 : vector<8x256xf32>
    %max3A_170 = arith.maximumf %max3A_153, %min3A_169 : vector<8x256xf32>
    %eq3A_171 = arith.constant 72 : i32
    %eq3A_172 = vector.broadcast %eq3A_171 : i32 to vector<8x256xi32>
    %eq3A_173 = arith.cmpi eq, %sub3A, %eq3A_172 : vector<8x256xi32>
    %select_n3A_174 = arith.select %eq3A_173, %squeeze3A_159, %select_n3A_157 : vector<8x256xi1>, vector<8x256xf32>
    %slice3A_175 = vector.extract_strided_slice %reshape3A {offsets = [10, 0, 0], sizes = [1, 8, 256], strides = [1, 1, 1]} : vector<49x8x256xf32> to vector<1x8x256xf32>
    %squeeze3A_176 = vector.shape_cast %slice3A_175 : vector<1x8x256xf32> to vector<8x256xf32>
    %max3A_177 = arith.maximumf %max3A_160, %squeeze3A_176 : vector<8x256xf32>
    %min3A_178 = arith.minimumf %max3A_160, %squeeze3A_176 : vector<8x256xf32>
    %max3A_179 = arith.maximumf %max3A_162, %min3A_178 : vector<8x256xf32>
    %min3A_180 = arith.minimumf %max3A_162, %min3A_178 : vector<8x256xf32>
    %max3A_181 = arith.maximumf %max3A_164, %min3A_180 : vector<8x256xf32>
    %min3A_182 = arith.minimumf %max3A_164, %min3A_180 : vector<8x256xf32>
    %max3A_183 = arith.maximumf %max3A_166, %min3A_182 : vector<8x256xf32>
    %min3A_184 = arith.minimumf %max3A_166, %min3A_182 : vector<8x256xf32>
    %max3A_185 = arith.maximumf %max3A_168, %min3A_184 : vector<8x256xf32>
    %min3A_186 = arith.minimumf %max3A_168, %min3A_184 : vector<8x256xf32>
    %max3A_187 = arith.maximumf %max3A_170, %min3A_186 : vector<8x256xf32>
    %eq3A_188 = arith.constant 80 : i32
    %eq3A_189 = vector.broadcast %eq3A_188 : i32 to vector<8x256xi32>
    %eq3A_190 = arith.cmpi eq, %sub3A, %eq3A_189 : vector<8x256xi32>
    %select_n3A_191 = arith.select %eq3A_190, %squeeze3A_176, %select_n3A_174 : vector<8x256xi1>, vector<8x256xf32>
    %slice3A_192 = vector.extract_strided_slice %reshape3A {offsets = [11, 0, 0], sizes = [1, 8, 256], strides = [1, 1, 1]} : vector<49x8x256xf32> to vector<1x8x256xf32>
    %squeeze3A_193 = vector.shape_cast %slice3A_192 : vector<1x8x256xf32> to vector<8x256xf32>
    %max3A_194 = arith.maximumf %max3A_177, %squeeze3A_193 : vector<8x256xf32>
    %min3A_195 = arith.minimumf %max3A_177, %squeeze3A_193 : vector<8x256xf32>
    %max3A_196 = arith.maximumf %max3A_179, %min3A_195 : vector<8x256xf32>
    %min3A_197 = arith.minimumf %max3A_179, %min3A_195 : vector<8x256xf32>
    %max3A_198 = arith.maximumf %max3A_181, %min3A_197 : vector<8x256xf32>
    %min3A_199 = arith.minimumf %max3A_181, %min3A_197 : vector<8x256xf32>
    %max3A_200 = arith.maximumf %max3A_183, %min3A_199 : vector<8x256xf32>
    %min3A_201 = arith.minimumf %max3A_183, %min3A_199 : vector<8x256xf32>
    %max3A_202 = arith.maximumf %max3A_185, %min3A_201 : vector<8x256xf32>
    %min3A_203 = arith.minimumf %max3A_185, %min3A_201 : vector<8x256xf32>
    %max3A_204 = arith.maximumf %max3A_187, %min3A_203 : vector<8x256xf32>
    %eq3A_205 = arith.constant 88 : i32
    %eq3A_206 = vector.broadcast %eq3A_205 : i32 to vector<8x256xi32>
    %eq3A_207 = arith.cmpi eq, %sub3A, %eq3A_206 : vector<8x256xi32>
    %select_n3A_208 = arith.select %eq3A_207, %squeeze3A_193, %select_n3A_191 : vector<8x256xi1>, vector<8x256xf32>
    %slice3A_209 = vector.extract_strided_slice %reshape3A {offsets = [12, 0, 0], sizes = [1, 8, 256], strides = [1, 1, 1]} : vector<49x8x256xf32> to vector<1x8x256xf32>
    %squeeze3A_210 = vector.shape_cast %slice3A_209 : vector<1x8x256xf32> to vector<8x256xf32>
    %max3A_211 = arith.maximumf %max3A_194, %squeeze3A_210 : vector<8x256xf32>
    %min3A_212 = arith.minimumf %max3A_194, %squeeze3A_210 : vector<8x256xf32>
    %max3A_213 = arith.maximumf %max3A_196, %min3A_212 : vector<8x256xf32>
    %min3A_214 = arith.minimumf %max3A_196, %min3A_212 : vector<8x256xf32>
    %max3A_215 = arith.maximumf %max3A_198, %min3A_214 : vector<8x256xf32>
    %min3A_216 = arith.minimumf %max3A_198, %min3A_214 : vector<8x256xf32>
    %max3A_217 = arith.maximumf %max3A_200, %min3A_216 : vector<8x256xf32>
    %min3A_218 = arith.minimumf %max3A_200, %min3A_216 : vector<8x256xf32>
    %max3A_219 = arith.maximumf %max3A_202, %min3A_218 : vector<8x256xf32>
    %min3A_220 = arith.minimumf %max3A_202, %min3A_218 : vector<8x256xf32>
    %max3A_221 = arith.maximumf %max3A_204, %min3A_220 : vector<8x256xf32>
    %eq3A_222 = arith.constant 96 : i32
    %eq3A_223 = vector.broadcast %eq3A_222 : i32 to vector<8x256xi32>
    %eq3A_224 = arith.cmpi eq, %sub3A, %eq3A_223 : vector<8x256xi32>
    %select_n3A_225 = arith.select %eq3A_224, %squeeze3A_210, %select_n3A_208 : vector<8x256xi1>, vector<8x256xf32>
    %slice3A_226 = vector.extract_strided_slice %reshape3A {offsets = [13, 0, 0], sizes = [1, 8, 256], strides = [1, 1, 1]} : vector<49x8x256xf32> to vector<1x8x256xf32>
    %squeeze3A_227 = vector.shape_cast %slice3A_226 : vector<1x8x256xf32> to vector<8x256xf32>
    %max3A_228 = arith.maximumf %max3A_211, %squeeze3A_227 : vector<8x256xf32>
    %min3A_229 = arith.minimumf %max3A_211, %squeeze3A_227 : vector<8x256xf32>
    %max3A_230 = arith.maximumf %max3A_213, %min3A_229 : vector<8x256xf32>
    %min3A_231 = arith.minimumf %max3A_213, %min3A_229 : vector<8x256xf32>
    %max3A_232 = arith.maximumf %max3A_215, %min3A_231 : vector<8x256xf32>
    %min3A_233 = arith.minimumf %max3A_215, %min3A_231 : vector<8x256xf32>
    %max3A_234 = arith.maximumf %max3A_217, %min3A_233 : vector<8x256xf32>
    %min3A_235 = arith.minimumf %max3A_217, %min3A_233 : vector<8x256xf32>
    %max3A_236 = arith.maximumf %max3A_219, %min3A_235 : vector<8x256xf32>
    %min3A_237 = arith.minimumf %max3A_219, %min3A_235 : vector<8x256xf32>
    %max3A_238 = arith.maximumf %max3A_221, %min3A_237 : vector<8x256xf32>
    %eq3A_239 = arith.constant 104 : i32
    %eq3A_240 = vector.broadcast %eq3A_239 : i32 to vector<8x256xi32>
    %eq3A_241 = arith.cmpi eq, %sub3A, %eq3A_240 : vector<8x256xi32>
    %select_n3A_242 = arith.select %eq3A_241, %squeeze3A_227, %select_n3A_225 : vector<8x256xi1>, vector<8x256xf32>
    %slice3A_243 = vector.extract_strided_slice %reshape3A {offsets = [14, 0, 0], sizes = [1, 8, 256], strides = [1, 1, 1]} : vector<49x8x256xf32> to vector<1x8x256xf32>
    %squeeze3A_244 = vector.shape_cast %slice3A_243 : vector<1x8x256xf32> to vector<8x256xf32>
    %max3A_245 = arith.maximumf %max3A_228, %squeeze3A_244 : vector<8x256xf32>
    %min3A_246 = arith.minimumf %max3A_228, %squeeze3A_244 : vector<8x256xf32>
    %max3A_247 = arith.maximumf %max3A_230, %min3A_246 : vector<8x256xf32>
    %min3A_248 = arith.minimumf %max3A_230, %min3A_246 : vector<8x256xf32>
    %max3A_249 = arith.maximumf %max3A_232, %min3A_248 : vector<8x256xf32>
    %min3A_250 = arith.minimumf %max3A_232, %min3A_248 : vector<8x256xf32>
    %max3A_251 = arith.maximumf %max3A_234, %min3A_250 : vector<8x256xf32>
    %min3A_252 = arith.minimumf %max3A_234, %min3A_250 : vector<8x256xf32>
    %max3A_253 = arith.maximumf %max3A_236, %min3A_252 : vector<8x256xf32>
    %min3A_254 = arith.minimumf %max3A_236, %min3A_252 : vector<8x256xf32>
    %max3A_255 = arith.maximumf %max3A_238, %min3A_254 : vector<8x256xf32>
    %eq3A_256 = arith.constant 112 : i32
    %eq3A_257 = vector.broadcast %eq3A_256 : i32 to vector<8x256xi32>
    %eq3A_258 = arith.cmpi eq, %sub3A, %eq3A_257 : vector<8x256xi32>
    %select_n3A_259 = arith.select %eq3A_258, %squeeze3A_244, %select_n3A_242 : vector<8x256xi1>, vector<8x256xf32>
    %slice3A_260 = vector.extract_strided_slice %reshape3A {offsets = [15, 0, 0], sizes = [1, 8, 256], strides = [1, 1, 1]} : vector<49x8x256xf32> to vector<1x8x256xf32>
    %squeeze3A_261 = vector.shape_cast %slice3A_260 : vector<1x8x256xf32> to vector<8x256xf32>
    %max3A_262 = arith.maximumf %max3A_245, %squeeze3A_261 : vector<8x256xf32>
    %min3A_263 = arith.minimumf %max3A_245, %squeeze3A_261 : vector<8x256xf32>
    %max3A_264 = arith.maximumf %max3A_247, %min3A_263 : vector<8x256xf32>
    %min3A_265 = arith.minimumf %max3A_247, %min3A_263 : vector<8x256xf32>
    %max3A_266 = arith.maximumf %max3A_249, %min3A_265 : vector<8x256xf32>
    %min3A_267 = arith.minimumf %max3A_249, %min3A_265 : vector<8x256xf32>
    %max3A_268 = arith.maximumf %max3A_251, %min3A_267 : vector<8x256xf32>
    %min3A_269 = arith.minimumf %max3A_251, %min3A_267 : vector<8x256xf32>
    %max3A_270 = arith.maximumf %max3A_253, %min3A_269 : vector<8x256xf32>
    %min3A_271 = arith.minimumf %max3A_253, %min3A_269 : vector<8x256xf32>
    %max3A_272 = arith.maximumf %max3A_255, %min3A_271 : vector<8x256xf32>
    %eq3A_273 = arith.constant 120 : i32
    %eq3A_274 = vector.broadcast %eq3A_273 : i32 to vector<8x256xi32>
    %eq3A_275 = arith.cmpi eq, %sub3A, %eq3A_274 : vector<8x256xi32>
    %select_n3A_276 = arith.select %eq3A_275, %squeeze3A_261, %select_n3A_259 : vector<8x256xi1>, vector<8x256xf32>
    %slice3A_277 = vector.extract_strided_slice %reshape3A {offsets = [16, 0, 0], sizes = [1, 8, 256], strides = [1, 1, 1]} : vector<49x8x256xf32> to vector<1x8x256xf32>
    %squeeze3A_278 = vector.shape_cast %slice3A_277 : vector<1x8x256xf32> to vector<8x256xf32>
    %max3A_279 = arith.maximumf %max3A_262, %squeeze3A_278 : vector<8x256xf32>
    %min3A_280 = arith.minimumf %max3A_262, %squeeze3A_278 : vector<8x256xf32>
    %max3A_281 = arith.maximumf %max3A_264, %min3A_280 : vector<8x256xf32>
    %min3A_282 = arith.minimumf %max3A_264, %min3A_280 : vector<8x256xf32>
    %max3A_283 = arith.maximumf %max3A_266, %min3A_282 : vector<8x256xf32>
    %min3A_284 = arith.minimumf %max3A_266, %min3A_282 : vector<8x256xf32>
    %max3A_285 = arith.maximumf %max3A_268, %min3A_284 : vector<8x256xf32>
    %min3A_286 = arith.minimumf %max3A_268, %min3A_284 : vector<8x256xf32>
    %max3A_287 = arith.maximumf %max3A_270, %min3A_286 : vector<8x256xf32>
    %min3A_288 = arith.minimumf %max3A_270, %min3A_286 : vector<8x256xf32>
    %max3A_289 = arith.maximumf %max3A_272, %min3A_288 : vector<8x256xf32>
    %eq3A_290 = arith.constant 128 : i32
    %eq3A_291 = vector.broadcast %eq3A_290 : i32 to vector<8x256xi32>
    %eq3A_292 = arith.cmpi eq, %sub3A, %eq3A_291 : vector<8x256xi32>
    %select_n3A_293 = arith.select %eq3A_292, %squeeze3A_278, %select_n3A_276 : vector<8x256xi1>, vector<8x256xf32>
    %slice3A_294 = vector.extract_strided_slice %reshape3A {offsets = [17, 0, 0], sizes = [1, 8, 256], strides = [1, 1, 1]} : vector<49x8x256xf32> to vector<1x8x256xf32>
    %squeeze3A_295 = vector.shape_cast %slice3A_294 : vector<1x8x256xf32> to vector<8x256xf32>
    %max3A_296 = arith.maximumf %max3A_279, %squeeze3A_295 : vector<8x256xf32>
    %min3A_297 = arith.minimumf %max3A_279, %squeeze3A_295 : vector<8x256xf32>
    %max3A_298 = arith.maximumf %max3A_281, %min3A_297 : vector<8x256xf32>
    %min3A_299 = arith.minimumf %max3A_281, %min3A_297 : vector<8x256xf32>
    %max3A_300 = arith.maximumf %max3A_283, %min3A_299 : vector<8x256xf32>
    %min3A_301 = arith.minimumf %max3A_283, %min3A_299 : vector<8x256xf32>
    %max3A_302 = arith.maximumf %max3A_285, %min3A_301 : vector<8x256xf32>
    %min3A_303 = arith.minimumf %max3A_285, %min3A_301 : vector<8x256xf32>
    %max3A_304 = arith.maximumf %max3A_287, %min3A_303 : vector<8x256xf32>
    %min3A_305 = arith.minimumf %max3A_287, %min3A_303 : vector<8x256xf32>
    %max3A_306 = arith.maximumf %max3A_289, %min3A_305 : vector<8x256xf32>
    %eq3A_307 = arith.constant 136 : i32
    %eq3A_308 = vector.broadcast %eq3A_307 : i32 to vector<8x256xi32>
    %eq3A_309 = arith.cmpi eq, %sub3A, %eq3A_308 : vector<8x256xi32>
    %select_n3A_310 = arith.select %eq3A_309, %squeeze3A_295, %select_n3A_293 : vector<8x256xi1>, vector<8x256xf32>
    %slice3A_311 = vector.extract_strided_slice %reshape3A {offsets = [18, 0, 0], sizes = [1, 8, 256], strides = [1, 1, 1]} : vector<49x8x256xf32> to vector<1x8x256xf32>
    %squeeze3A_312 = vector.shape_cast %slice3A_311 : vector<1x8x256xf32> to vector<8x256xf32>
    %max3A_313 = arith.maximumf %max3A_296, %squeeze3A_312 : vector<8x256xf32>
    %min3A_314 = arith.minimumf %max3A_296, %squeeze3A_312 : vector<8x256xf32>
    %max3A_315 = arith.maximumf %max3A_298, %min3A_314 : vector<8x256xf32>
    %min3A_316 = arith.minimumf %max3A_298, %min3A_314 : vector<8x256xf32>
    %max3A_317 = arith.maximumf %max3A_300, %min3A_316 : vector<8x256xf32>
    %min3A_318 = arith.minimumf %max3A_300, %min3A_316 : vector<8x256xf32>
    %max3A_319 = arith.maximumf %max3A_302, %min3A_318 : vector<8x256xf32>
    %min3A_320 = arith.minimumf %max3A_302, %min3A_318 : vector<8x256xf32>
    %max3A_321 = arith.maximumf %max3A_304, %min3A_320 : vector<8x256xf32>
    %min3A_322 = arith.minimumf %max3A_304, %min3A_320 : vector<8x256xf32>
    %max3A_323 = arith.maximumf %max3A_306, %min3A_322 : vector<8x256xf32>
    %eq3A_324 = arith.constant 144 : i32
    %eq3A_325 = vector.broadcast %eq3A_324 : i32 to vector<8x256xi32>
    %eq3A_326 = arith.cmpi eq, %sub3A, %eq3A_325 : vector<8x256xi32>
    %select_n3A_327 = arith.select %eq3A_326, %squeeze3A_312, %select_n3A_310 : vector<8x256xi1>, vector<8x256xf32>
    %slice3A_328 = vector.extract_strided_slice %reshape3A {offsets = [19, 0, 0], sizes = [1, 8, 256], strides = [1, 1, 1]} : vector<49x8x256xf32> to vector<1x8x256xf32>
    %squeeze3A_329 = vector.shape_cast %slice3A_328 : vector<1x8x256xf32> to vector<8x256xf32>
    %max3A_330 = arith.maximumf %max3A_313, %squeeze3A_329 : vector<8x256xf32>
    %min3A_331 = arith.minimumf %max3A_313, %squeeze3A_329 : vector<8x256xf32>
    %max3A_332 = arith.maximumf %max3A_315, %min3A_331 : vector<8x256xf32>
    %min3A_333 = arith.minimumf %max3A_315, %min3A_331 : vector<8x256xf32>
    %max3A_334 = arith.maximumf %max3A_317, %min3A_333 : vector<8x256xf32>
    %min3A_335 = arith.minimumf %max3A_317, %min3A_333 : vector<8x256xf32>
    %max3A_336 = arith.maximumf %max3A_319, %min3A_335 : vector<8x256xf32>
    %min3A_337 = arith.minimumf %max3A_319, %min3A_335 : vector<8x256xf32>
    %max3A_338 = arith.maximumf %max3A_321, %min3A_337 : vector<8x256xf32>
    %min3A_339 = arith.minimumf %max3A_321, %min3A_337 : vector<8x256xf32>
    %max3A_340 = arith.maximumf %max3A_323, %min3A_339 : vector<8x256xf32>
    %eq3A_341 = arith.constant 152 : i32
    %eq3A_342 = vector.broadcast %eq3A_341 : i32 to vector<8x256xi32>
    %eq3A_343 = arith.cmpi eq, %sub3A, %eq3A_342 : vector<8x256xi32>
    %select_n3A_344 = arith.select %eq3A_343, %squeeze3A_329, %select_n3A_327 : vector<8x256xi1>, vector<8x256xf32>
    %slice3A_345 = vector.extract_strided_slice %reshape3A {offsets = [20, 0, 0], sizes = [1, 8, 256], strides = [1, 1, 1]} : vector<49x8x256xf32> to vector<1x8x256xf32>
    %squeeze3A_346 = vector.shape_cast %slice3A_345 : vector<1x8x256xf32> to vector<8x256xf32>
    %max3A_347 = arith.maximumf %max3A_330, %squeeze3A_346 : vector<8x256xf32>
    %min3A_348 = arith.minimumf %max3A_330, %squeeze3A_346 : vector<8x256xf32>
    %max3A_349 = arith.maximumf %max3A_332, %min3A_348 : vector<8x256xf32>
    %min3A_350 = arith.minimumf %max3A_332, %min3A_348 : vector<8x256xf32>
    %max3A_351 = arith.maximumf %max3A_334, %min3A_350 : vector<8x256xf32>
    %min3A_352 = arith.minimumf %max3A_334, %min3A_350 : vector<8x256xf32>
    %max3A_353 = arith.maximumf %max3A_336, %min3A_352 : vector<8x256xf32>
    %min3A_354 = arith.minimumf %max3A_336, %min3A_352 : vector<8x256xf32>
    %max3A_355 = arith.maximumf %max3A_338, %min3A_354 : vector<8x256xf32>
    %min3A_356 = arith.minimumf %max3A_338, %min3A_354 : vector<8x256xf32>
    %max3A_357 = arith.maximumf %max3A_340, %min3A_356 : vector<8x256xf32>
    %eq3A_358 = arith.constant 160 : i32
    %eq3A_359 = vector.broadcast %eq3A_358 : i32 to vector<8x256xi32>
    %eq3A_360 = arith.cmpi eq, %sub3A, %eq3A_359 : vector<8x256xi32>
    %select_n3A_361 = arith.select %eq3A_360, %squeeze3A_346, %select_n3A_344 : vector<8x256xi1>, vector<8x256xf32>
    %slice3A_362 = vector.extract_strided_slice %reshape3A {offsets = [21, 0, 0], sizes = [1, 8, 256], strides = [1, 1, 1]} : vector<49x8x256xf32> to vector<1x8x256xf32>
    %squeeze3A_363 = vector.shape_cast %slice3A_362 : vector<1x8x256xf32> to vector<8x256xf32>
    %max3A_364 = arith.maximumf %max3A_347, %squeeze3A_363 : vector<8x256xf32>
    %min3A_365 = arith.minimumf %max3A_347, %squeeze3A_363 : vector<8x256xf32>
    %max3A_366 = arith.maximumf %max3A_349, %min3A_365 : vector<8x256xf32>
    %min3A_367 = arith.minimumf %max3A_349, %min3A_365 : vector<8x256xf32>
    %max3A_368 = arith.maximumf %max3A_351, %min3A_367 : vector<8x256xf32>
    %min3A_369 = arith.minimumf %max3A_351, %min3A_367 : vector<8x256xf32>
    %max3A_370 = arith.maximumf %max3A_353, %min3A_369 : vector<8x256xf32>
    %min3A_371 = arith.minimumf %max3A_353, %min3A_369 : vector<8x256xf32>
    %max3A_372 = arith.maximumf %max3A_355, %min3A_371 : vector<8x256xf32>
    %min3A_373 = arith.minimumf %max3A_355, %min3A_371 : vector<8x256xf32>
    %max3A_374 = arith.maximumf %max3A_357, %min3A_373 : vector<8x256xf32>
    %eq3A_375 = arith.constant 168 : i32
    %eq3A_376 = vector.broadcast %eq3A_375 : i32 to vector<8x256xi32>
    %eq3A_377 = arith.cmpi eq, %sub3A, %eq3A_376 : vector<8x256xi32>
    %select_n3A_378 = arith.select %eq3A_377, %squeeze3A_363, %select_n3A_361 : vector<8x256xi1>, vector<8x256xf32>
    %slice3A_379 = vector.extract_strided_slice %reshape3A {offsets = [22, 0, 0], sizes = [1, 8, 256], strides = [1, 1, 1]} : vector<49x8x256xf32> to vector<1x8x256xf32>
    %squeeze3A_380 = vector.shape_cast %slice3A_379 : vector<1x8x256xf32> to vector<8x256xf32>
    %max3A_381 = arith.maximumf %max3A_364, %squeeze3A_380 : vector<8x256xf32>
    %min3A_382 = arith.minimumf %max3A_364, %squeeze3A_380 : vector<8x256xf32>
    %max3A_383 = arith.maximumf %max3A_366, %min3A_382 : vector<8x256xf32>
    %min3A_384 = arith.minimumf %max3A_366, %min3A_382 : vector<8x256xf32>
    %max3A_385 = arith.maximumf %max3A_368, %min3A_384 : vector<8x256xf32>
    %min3A_386 = arith.minimumf %max3A_368, %min3A_384 : vector<8x256xf32>
    %max3A_387 = arith.maximumf %max3A_370, %min3A_386 : vector<8x256xf32>
    %min3A_388 = arith.minimumf %max3A_370, %min3A_386 : vector<8x256xf32>
    %max3A_389 = arith.maximumf %max3A_372, %min3A_388 : vector<8x256xf32>
    %min3A_390 = arith.minimumf %max3A_372, %min3A_388 : vector<8x256xf32>
    %max3A_391 = arith.maximumf %max3A_374, %min3A_390 : vector<8x256xf32>
    %eq3A_392 = arith.constant 176 : i32
    %eq3A_393 = vector.broadcast %eq3A_392 : i32 to vector<8x256xi32>
    %eq3A_394 = arith.cmpi eq, %sub3A, %eq3A_393 : vector<8x256xi32>
    %select_n3A_395 = arith.select %eq3A_394, %squeeze3A_380, %select_n3A_378 : vector<8x256xi1>, vector<8x256xf32>
    %slice3A_396 = vector.extract_strided_slice %reshape3A {offsets = [23, 0, 0], sizes = [1, 8, 256], strides = [1, 1, 1]} : vector<49x8x256xf32> to vector<1x8x256xf32>
    %squeeze3A_397 = vector.shape_cast %slice3A_396 : vector<1x8x256xf32> to vector<8x256xf32>
    %max3A_398 = arith.maximumf %max3A_381, %squeeze3A_397 : vector<8x256xf32>
    %min3A_399 = arith.minimumf %max3A_381, %squeeze3A_397 : vector<8x256xf32>
    %max3A_400 = arith.maximumf %max3A_383, %min3A_399 : vector<8x256xf32>
    %min3A_401 = arith.minimumf %max3A_383, %min3A_399 : vector<8x256xf32>
    %max3A_402 = arith.maximumf %max3A_385, %min3A_401 : vector<8x256xf32>
    %min3A_403 = arith.minimumf %max3A_385, %min3A_401 : vector<8x256xf32>
    %max3A_404 = arith.maximumf %max3A_387, %min3A_403 : vector<8x256xf32>
    %min3A_405 = arith.minimumf %max3A_387, %min3A_403 : vector<8x256xf32>
    %max3A_406 = arith.maximumf %max3A_389, %min3A_405 : vector<8x256xf32>
    %min3A_407 = arith.minimumf %max3A_389, %min3A_405 : vector<8x256xf32>
    %max3A_408 = arith.maximumf %max3A_391, %min3A_407 : vector<8x256xf32>
    %eq3A_409 = arith.constant 184 : i32
    %eq3A_410 = vector.broadcast %eq3A_409 : i32 to vector<8x256xi32>
    %eq3A_411 = arith.cmpi eq, %sub3A, %eq3A_410 : vector<8x256xi32>
    %select_n3A_412 = arith.select %eq3A_411, %squeeze3A_397, %select_n3A_395 : vector<8x256xi1>, vector<8x256xf32>
    %slice3A_413 = vector.extract_strided_slice %reshape3A {offsets = [24, 0, 0], sizes = [1, 8, 256], strides = [1, 1, 1]} : vector<49x8x256xf32> to vector<1x8x256xf32>
    %squeeze3A_414 = vector.shape_cast %slice3A_413 : vector<1x8x256xf32> to vector<8x256xf32>
    %max3A_415 = arith.maximumf %max3A_398, %squeeze3A_414 : vector<8x256xf32>
    %min3A_416 = arith.minimumf %max3A_398, %squeeze3A_414 : vector<8x256xf32>
    %max3A_417 = arith.maximumf %max3A_400, %min3A_416 : vector<8x256xf32>
    %min3A_418 = arith.minimumf %max3A_400, %min3A_416 : vector<8x256xf32>
    %max3A_419 = arith.maximumf %max3A_402, %min3A_418 : vector<8x256xf32>
    %min3A_420 = arith.minimumf %max3A_402, %min3A_418 : vector<8x256xf32>
    %max3A_421 = arith.maximumf %max3A_404, %min3A_420 : vector<8x256xf32>
    %min3A_422 = arith.minimumf %max3A_404, %min3A_420 : vector<8x256xf32>
    %max3A_423 = arith.maximumf %max3A_406, %min3A_422 : vector<8x256xf32>
    %min3A_424 = arith.minimumf %max3A_406, %min3A_422 : vector<8x256xf32>
    %max3A_425 = arith.maximumf %max3A_408, %min3A_424 : vector<8x256xf32>
    %eq3A_426 = arith.constant 192 : i32
    %eq3A_427 = vector.broadcast %eq3A_426 : i32 to vector<8x256xi32>
    %eq3A_428 = arith.cmpi eq, %sub3A, %eq3A_427 : vector<8x256xi32>
    %select_n3A_429 = arith.select %eq3A_428, %squeeze3A_414, %select_n3A_412 : vector<8x256xi1>, vector<8x256xf32>
    %slice3A_430 = vector.extract_strided_slice %reshape3A {offsets = [25, 0, 0], sizes = [1, 8, 256], strides = [1, 1, 1]} : vector<49x8x256xf32> to vector<1x8x256xf32>
    %squeeze3A_431 = vector.shape_cast %slice3A_430 : vector<1x8x256xf32> to vector<8x256xf32>
    %max3A_432 = arith.maximumf %max3A_415, %squeeze3A_431 : vector<8x256xf32>
    %min3A_433 = arith.minimumf %max3A_415, %squeeze3A_431 : vector<8x256xf32>
    %max3A_434 = arith.maximumf %max3A_417, %min3A_433 : vector<8x256xf32>
    %min3A_435 = arith.minimumf %max3A_417, %min3A_433 : vector<8x256xf32>
    %max3A_436 = arith.maximumf %max3A_419, %min3A_435 : vector<8x256xf32>
    %min3A_437 = arith.minimumf %max3A_419, %min3A_435 : vector<8x256xf32>
    %max3A_438 = arith.maximumf %max3A_421, %min3A_437 : vector<8x256xf32>
    %min3A_439 = arith.minimumf %max3A_421, %min3A_437 : vector<8x256xf32>
    %max3A_440 = arith.maximumf %max3A_423, %min3A_439 : vector<8x256xf32>
    %min3A_441 = arith.minimumf %max3A_423, %min3A_439 : vector<8x256xf32>
    %max3A_442 = arith.maximumf %max3A_425, %min3A_441 : vector<8x256xf32>
    %eq3A_443 = arith.constant 200 : i32
    %eq3A_444 = vector.broadcast %eq3A_443 : i32 to vector<8x256xi32>
    %eq3A_445 = arith.cmpi eq, %sub3A, %eq3A_444 : vector<8x256xi32>
    %select_n3A_446 = arith.select %eq3A_445, %squeeze3A_431, %select_n3A_429 : vector<8x256xi1>, vector<8x256xf32>
    %slice3A_447 = vector.extract_strided_slice %reshape3A {offsets = [26, 0, 0], sizes = [1, 8, 256], strides = [1, 1, 1]} : vector<49x8x256xf32> to vector<1x8x256xf32>
    %squeeze3A_448 = vector.shape_cast %slice3A_447 : vector<1x8x256xf32> to vector<8x256xf32>
    %max3A_449 = arith.maximumf %max3A_432, %squeeze3A_448 : vector<8x256xf32>
    %min3A_450 = arith.minimumf %max3A_432, %squeeze3A_448 : vector<8x256xf32>
    %max3A_451 = arith.maximumf %max3A_434, %min3A_450 : vector<8x256xf32>
    %min3A_452 = arith.minimumf %max3A_434, %min3A_450 : vector<8x256xf32>
    %max3A_453 = arith.maximumf %max3A_436, %min3A_452 : vector<8x256xf32>
    %min3A_454 = arith.minimumf %max3A_436, %min3A_452 : vector<8x256xf32>
    %max3A_455 = arith.maximumf %max3A_438, %min3A_454 : vector<8x256xf32>
    %min3A_456 = arith.minimumf %max3A_438, %min3A_454 : vector<8x256xf32>
    %max3A_457 = arith.maximumf %max3A_440, %min3A_456 : vector<8x256xf32>
    %min3A_458 = arith.minimumf %max3A_440, %min3A_456 : vector<8x256xf32>
    %max3A_459 = arith.maximumf %max3A_442, %min3A_458 : vector<8x256xf32>
    %eq3A_460 = arith.constant 208 : i32
    %eq3A_461 = vector.broadcast %eq3A_460 : i32 to vector<8x256xi32>
    %eq3A_462 = arith.cmpi eq, %sub3A, %eq3A_461 : vector<8x256xi32>
    %select_n3A_463 = arith.select %eq3A_462, %squeeze3A_448, %select_n3A_446 : vector<8x256xi1>, vector<8x256xf32>
    %slice3A_464 = vector.extract_strided_slice %reshape3A {offsets = [27, 0, 0], sizes = [1, 8, 256], strides = [1, 1, 1]} : vector<49x8x256xf32> to vector<1x8x256xf32>
    %squeeze3A_465 = vector.shape_cast %slice3A_464 : vector<1x8x256xf32> to vector<8x256xf32>
    %max3A_466 = arith.maximumf %max3A_449, %squeeze3A_465 : vector<8x256xf32>
    %min3A_467 = arith.minimumf %max3A_449, %squeeze3A_465 : vector<8x256xf32>
    %max3A_468 = arith.maximumf %max3A_451, %min3A_467 : vector<8x256xf32>
    %min3A_469 = arith.minimumf %max3A_451, %min3A_467 : vector<8x256xf32>
    %max3A_470 = arith.maximumf %max3A_453, %min3A_469 : vector<8x256xf32>
    %min3A_471 = arith.minimumf %max3A_453, %min3A_469 : vector<8x256xf32>
    %max3A_472 = arith.maximumf %max3A_455, %min3A_471 : vector<8x256xf32>
    %min3A_473 = arith.minimumf %max3A_455, %min3A_471 : vector<8x256xf32>
    %max3A_474 = arith.maximumf %max3A_457, %min3A_473 : vector<8x256xf32>
    %min3A_475 = arith.minimumf %max3A_457, %min3A_473 : vector<8x256xf32>
    %max3A_476 = arith.maximumf %max3A_459, %min3A_475 : vector<8x256xf32>
    %eq3A_477 = arith.constant 216 : i32
    %eq3A_478 = vector.broadcast %eq3A_477 : i32 to vector<8x256xi32>
    %eq3A_479 = arith.cmpi eq, %sub3A, %eq3A_478 : vector<8x256xi32>
    %select_n3A_480 = arith.select %eq3A_479, %squeeze3A_465, %select_n3A_463 : vector<8x256xi1>, vector<8x256xf32>
    %slice3A_481 = vector.extract_strided_slice %reshape3A {offsets = [28, 0, 0], sizes = [1, 8, 256], strides = [1, 1, 1]} : vector<49x8x256xf32> to vector<1x8x256xf32>
    %squeeze3A_482 = vector.shape_cast %slice3A_481 : vector<1x8x256xf32> to vector<8x256xf32>
    %max3A_483 = arith.maximumf %max3A_466, %squeeze3A_482 : vector<8x256xf32>
    %min3A_484 = arith.minimumf %max3A_466, %squeeze3A_482 : vector<8x256xf32>
    %max3A_485 = arith.maximumf %max3A_468, %min3A_484 : vector<8x256xf32>
    %min3A_486 = arith.minimumf %max3A_468, %min3A_484 : vector<8x256xf32>
    %max3A_487 = arith.maximumf %max3A_470, %min3A_486 : vector<8x256xf32>
    %min3A_488 = arith.minimumf %max3A_470, %min3A_486 : vector<8x256xf32>
    %max3A_489 = arith.maximumf %max3A_472, %min3A_488 : vector<8x256xf32>
    %min3A_490 = arith.minimumf %max3A_472, %min3A_488 : vector<8x256xf32>
    %max3A_491 = arith.maximumf %max3A_474, %min3A_490 : vector<8x256xf32>
    %min3A_492 = arith.minimumf %max3A_474, %min3A_490 : vector<8x256xf32>
    %max3A_493 = arith.maximumf %max3A_476, %min3A_492 : vector<8x256xf32>
    %eq3A_494 = arith.constant 224 : i32
    %eq3A_495 = vector.broadcast %eq3A_494 : i32 to vector<8x256xi32>
    %eq3A_496 = arith.cmpi eq, %sub3A, %eq3A_495 : vector<8x256xi32>
    %select_n3A_497 = arith.select %eq3A_496, %squeeze3A_482, %select_n3A_480 : vector<8x256xi1>, vector<8x256xf32>
    %slice3A_498 = vector.extract_strided_slice %reshape3A {offsets = [29, 0, 0], sizes = [1, 8, 256], strides = [1, 1, 1]} : vector<49x8x256xf32> to vector<1x8x256xf32>
    %squeeze3A_499 = vector.shape_cast %slice3A_498 : vector<1x8x256xf32> to vector<8x256xf32>
    %max3A_500 = arith.maximumf %max3A_483, %squeeze3A_499 : vector<8x256xf32>
    %min3A_501 = arith.minimumf %max3A_483, %squeeze3A_499 : vector<8x256xf32>
    %max3A_502 = arith.maximumf %max3A_485, %min3A_501 : vector<8x256xf32>
    %min3A_503 = arith.minimumf %max3A_485, %min3A_501 : vector<8x256xf32>
    %max3A_504 = arith.maximumf %max3A_487, %min3A_503 : vector<8x256xf32>
    %min3A_505 = arith.minimumf %max3A_487, %min3A_503 : vector<8x256xf32>
    %max3A_506 = arith.maximumf %max3A_489, %min3A_505 : vector<8x256xf32>
    %min3A_507 = arith.minimumf %max3A_489, %min3A_505 : vector<8x256xf32>
    %max3A_508 = arith.maximumf %max3A_491, %min3A_507 : vector<8x256xf32>
    %min3A_509 = arith.minimumf %max3A_491, %min3A_507 : vector<8x256xf32>
    %max3A_510 = arith.maximumf %max3A_493, %min3A_509 : vector<8x256xf32>
    %eq3A_511 = arith.constant 232 : i32
    %eq3A_512 = vector.broadcast %eq3A_511 : i32 to vector<8x256xi32>
    %eq3A_513 = arith.cmpi eq, %sub3A, %eq3A_512 : vector<8x256xi32>
    %select_n3A_514 = arith.select %eq3A_513, %squeeze3A_499, %select_n3A_497 : vector<8x256xi1>, vector<8x256xf32>
    %slice3A_515 = vector.extract_strided_slice %reshape3A {offsets = [30, 0, 0], sizes = [1, 8, 256], strides = [1, 1, 1]} : vector<49x8x256xf32> to vector<1x8x256xf32>
    %squeeze3A_516 = vector.shape_cast %slice3A_515 : vector<1x8x256xf32> to vector<8x256xf32>
    %max3A_517 = arith.maximumf %max3A_500, %squeeze3A_516 : vector<8x256xf32>
    %min3A_518 = arith.minimumf %max3A_500, %squeeze3A_516 : vector<8x256xf32>
    %max3A_519 = arith.maximumf %max3A_502, %min3A_518 : vector<8x256xf32>
    %min3A_520 = arith.minimumf %max3A_502, %min3A_518 : vector<8x256xf32>
    %max3A_521 = arith.maximumf %max3A_504, %min3A_520 : vector<8x256xf32>
    %min3A_522 = arith.minimumf %max3A_504, %min3A_520 : vector<8x256xf32>
    %max3A_523 = arith.maximumf %max3A_506, %min3A_522 : vector<8x256xf32>
    %min3A_524 = arith.minimumf %max3A_506, %min3A_522 : vector<8x256xf32>
    %max3A_525 = arith.maximumf %max3A_508, %min3A_524 : vector<8x256xf32>
    %min3A_526 = arith.minimumf %max3A_508, %min3A_524 : vector<8x256xf32>
    %max3A_527 = arith.maximumf %max3A_510, %min3A_526 : vector<8x256xf32>
    %eq3A_528 = arith.constant 240 : i32
    %eq3A_529 = vector.broadcast %eq3A_528 : i32 to vector<8x256xi32>
    %eq3A_530 = arith.cmpi eq, %sub3A, %eq3A_529 : vector<8x256xi32>
    %select_n3A_531 = arith.select %eq3A_530, %squeeze3A_516, %select_n3A_514 : vector<8x256xi1>, vector<8x256xf32>
    %slice3A_532 = vector.extract_strided_slice %reshape3A {offsets = [31, 0, 0], sizes = [1, 8, 256], strides = [1, 1, 1]} : vector<49x8x256xf32> to vector<1x8x256xf32>
    %squeeze3A_533 = vector.shape_cast %slice3A_532 : vector<1x8x256xf32> to vector<8x256xf32>
    %max3A_534 = arith.maximumf %max3A_517, %squeeze3A_533 : vector<8x256xf32>
    %min3A_535 = arith.minimumf %max3A_517, %squeeze3A_533 : vector<8x256xf32>
    %max3A_536 = arith.maximumf %max3A_519, %min3A_535 : vector<8x256xf32>
    %min3A_537 = arith.minimumf %max3A_519, %min3A_535 : vector<8x256xf32>
    %max3A_538 = arith.maximumf %max3A_521, %min3A_537 : vector<8x256xf32>
    %min3A_539 = arith.minimumf %max3A_521, %min3A_537 : vector<8x256xf32>
    %max3A_540 = arith.maximumf %max3A_523, %min3A_539 : vector<8x256xf32>
    %min3A_541 = arith.minimumf %max3A_523, %min3A_539 : vector<8x256xf32>
    %max3A_542 = arith.maximumf %max3A_525, %min3A_541 : vector<8x256xf32>
    %min3A_543 = arith.minimumf %max3A_525, %min3A_541 : vector<8x256xf32>
    %max3A_544 = arith.maximumf %max3A_527, %min3A_543 : vector<8x256xf32>
    %eq3A_545 = arith.constant 248 : i32
    %eq3A_546 = vector.broadcast %eq3A_545 : i32 to vector<8x256xi32>
    %eq3A_547 = arith.cmpi eq, %sub3A, %eq3A_546 : vector<8x256xi32>
    %select_n3A_548 = arith.select %eq3A_547, %squeeze3A_533, %select_n3A_531 : vector<8x256xi1>, vector<8x256xf32>
    %slice3A_549 = vector.extract_strided_slice %reshape3A {offsets = [32, 0, 0], sizes = [1, 8, 256], strides = [1, 1, 1]} : vector<49x8x256xf32> to vector<1x8x256xf32>
    %squeeze3A_550 = vector.shape_cast %slice3A_549 : vector<1x8x256xf32> to vector<8x256xf32>
    %max3A_551 = arith.maximumf %max3A_534, %squeeze3A_550 : vector<8x256xf32>
    %min3A_552 = arith.minimumf %max3A_534, %squeeze3A_550 : vector<8x256xf32>
    %max3A_553 = arith.maximumf %max3A_536, %min3A_552 : vector<8x256xf32>
    %min3A_554 = arith.minimumf %max3A_536, %min3A_552 : vector<8x256xf32>
    %max3A_555 = arith.maximumf %max3A_538, %min3A_554 : vector<8x256xf32>
    %min3A_556 = arith.minimumf %max3A_538, %min3A_554 : vector<8x256xf32>
    %max3A_557 = arith.maximumf %max3A_540, %min3A_556 : vector<8x256xf32>
    %min3A_558 = arith.minimumf %max3A_540, %min3A_556 : vector<8x256xf32>
    %max3A_559 = arith.maximumf %max3A_542, %min3A_558 : vector<8x256xf32>
    %min3A_560 = arith.minimumf %max3A_542, %min3A_558 : vector<8x256xf32>
    %max3A_561 = arith.maximumf %max3A_544, %min3A_560 : vector<8x256xf32>
    %eq3A_562 = arith.constant 256 : i32
    %eq3A_563 = vector.broadcast %eq3A_562 : i32 to vector<8x256xi32>
    %eq3A_564 = arith.cmpi eq, %sub3A, %eq3A_563 : vector<8x256xi32>
    %select_n3A_565 = arith.select %eq3A_564, %squeeze3A_550, %select_n3A_548 : vector<8x256xi1>, vector<8x256xf32>
    %slice3A_566 = vector.extract_strided_slice %reshape3A {offsets = [33, 0, 0], sizes = [1, 8, 256], strides = [1, 1, 1]} : vector<49x8x256xf32> to vector<1x8x256xf32>
    %squeeze3A_567 = vector.shape_cast %slice3A_566 : vector<1x8x256xf32> to vector<8x256xf32>
    %max3A_568 = arith.maximumf %max3A_551, %squeeze3A_567 : vector<8x256xf32>
    %min3A_569 = arith.minimumf %max3A_551, %squeeze3A_567 : vector<8x256xf32>
    %max3A_570 = arith.maximumf %max3A_553, %min3A_569 : vector<8x256xf32>
    %min3A_571 = arith.minimumf %max3A_553, %min3A_569 : vector<8x256xf32>
    %max3A_572 = arith.maximumf %max3A_555, %min3A_571 : vector<8x256xf32>
    %min3A_573 = arith.minimumf %max3A_555, %min3A_571 : vector<8x256xf32>
    %max3A_574 = arith.maximumf %max3A_557, %min3A_573 : vector<8x256xf32>
    %min3A_575 = arith.minimumf %max3A_557, %min3A_573 : vector<8x256xf32>
    %max3A_576 = arith.maximumf %max3A_559, %min3A_575 : vector<8x256xf32>
    %min3A_577 = arith.minimumf %max3A_559, %min3A_575 : vector<8x256xf32>
    %max3A_578 = arith.maximumf %max3A_561, %min3A_577 : vector<8x256xf32>
    %eq3A_579 = arith.constant 264 : i32
    %eq3A_580 = vector.broadcast %eq3A_579 : i32 to vector<8x256xi32>
    %eq3A_581 = arith.cmpi eq, %sub3A, %eq3A_580 : vector<8x256xi32>
    %select_n3A_582 = arith.select %eq3A_581, %squeeze3A_567, %select_n3A_565 : vector<8x256xi1>, vector<8x256xf32>
    %slice3A_583 = vector.extract_strided_slice %reshape3A {offsets = [34, 0, 0], sizes = [1, 8, 256], strides = [1, 1, 1]} : vector<49x8x256xf32> to vector<1x8x256xf32>
    %squeeze3A_584 = vector.shape_cast %slice3A_583 : vector<1x8x256xf32> to vector<8x256xf32>
    %max3A_585 = arith.maximumf %max3A_568, %squeeze3A_584 : vector<8x256xf32>
    %min3A_586 = arith.minimumf %max3A_568, %squeeze3A_584 : vector<8x256xf32>
    %max3A_587 = arith.maximumf %max3A_570, %min3A_586 : vector<8x256xf32>
    %min3A_588 = arith.minimumf %max3A_570, %min3A_586 : vector<8x256xf32>
    %max3A_589 = arith.maximumf %max3A_572, %min3A_588 : vector<8x256xf32>
    %min3A_590 = arith.minimumf %max3A_572, %min3A_588 : vector<8x256xf32>
    %max3A_591 = arith.maximumf %max3A_574, %min3A_590 : vector<8x256xf32>
    %min3A_592 = arith.minimumf %max3A_574, %min3A_590 : vector<8x256xf32>
    %max3A_593 = arith.maximumf %max3A_576, %min3A_592 : vector<8x256xf32>
    %min3A_594 = arith.minimumf %max3A_576, %min3A_592 : vector<8x256xf32>
    %max3A_595 = arith.maximumf %max3A_578, %min3A_594 : vector<8x256xf32>
    %eq3A_596 = arith.constant 272 : i32
    %eq3A_597 = vector.broadcast %eq3A_596 : i32 to vector<8x256xi32>
    %eq3A_598 = arith.cmpi eq, %sub3A, %eq3A_597 : vector<8x256xi32>
    %select_n3A_599 = arith.select %eq3A_598, %squeeze3A_584, %select_n3A_582 : vector<8x256xi1>, vector<8x256xf32>
    %slice3A_600 = vector.extract_strided_slice %reshape3A {offsets = [35, 0, 0], sizes = [1, 8, 256], strides = [1, 1, 1]} : vector<49x8x256xf32> to vector<1x8x256xf32>
    %squeeze3A_601 = vector.shape_cast %slice3A_600 : vector<1x8x256xf32> to vector<8x256xf32>
    %max3A_602 = arith.maximumf %max3A_585, %squeeze3A_601 : vector<8x256xf32>
    %min3A_603 = arith.minimumf %max3A_585, %squeeze3A_601 : vector<8x256xf32>
    %max3A_604 = arith.maximumf %max3A_587, %min3A_603 : vector<8x256xf32>
    %min3A_605 = arith.minimumf %max3A_587, %min3A_603 : vector<8x256xf32>
    %max3A_606 = arith.maximumf %max3A_589, %min3A_605 : vector<8x256xf32>
    %min3A_607 = arith.minimumf %max3A_589, %min3A_605 : vector<8x256xf32>
    %max3A_608 = arith.maximumf %max3A_591, %min3A_607 : vector<8x256xf32>
    %min3A_609 = arith.minimumf %max3A_591, %min3A_607 : vector<8x256xf32>
    %max3A_610 = arith.maximumf %max3A_593, %min3A_609 : vector<8x256xf32>
    %min3A_611 = arith.minimumf %max3A_593, %min3A_609 : vector<8x256xf32>
    %max3A_612 = arith.maximumf %max3A_595, %min3A_611 : vector<8x256xf32>
    %eq3A_613 = arith.constant 280 : i32
    %eq3A_614 = vector.broadcast %eq3A_613 : i32 to vector<8x256xi32>
    %eq3A_615 = arith.cmpi eq, %sub3A, %eq3A_614 : vector<8x256xi32>
    %select_n3A_616 = arith.select %eq3A_615, %squeeze3A_601, %select_n3A_599 : vector<8x256xi1>, vector<8x256xf32>
    %slice3A_617 = vector.extract_strided_slice %reshape3A {offsets = [36, 0, 0], sizes = [1, 8, 256], strides = [1, 1, 1]} : vector<49x8x256xf32> to vector<1x8x256xf32>
    %squeeze3A_618 = vector.shape_cast %slice3A_617 : vector<1x8x256xf32> to vector<8x256xf32>
    %max3A_619 = arith.maximumf %max3A_602, %squeeze3A_618 : vector<8x256xf32>
    %min3A_620 = arith.minimumf %max3A_602, %squeeze3A_618 : vector<8x256xf32>
    %max3A_621 = arith.maximumf %max3A_604, %min3A_620 : vector<8x256xf32>
    %min3A_622 = arith.minimumf %max3A_604, %min3A_620 : vector<8x256xf32>
    %max3A_623 = arith.maximumf %max3A_606, %min3A_622 : vector<8x256xf32>
    %min3A_624 = arith.minimumf %max3A_606, %min3A_622 : vector<8x256xf32>
    %max3A_625 = arith.maximumf %max3A_608, %min3A_624 : vector<8x256xf32>
    %min3A_626 = arith.minimumf %max3A_608, %min3A_624 : vector<8x256xf32>
    %max3A_627 = arith.maximumf %max3A_610, %min3A_626 : vector<8x256xf32>
    %min3A_628 = arith.minimumf %max3A_610, %min3A_626 : vector<8x256xf32>
    %max3A_629 = arith.maximumf %max3A_612, %min3A_628 : vector<8x256xf32>
    %eq3A_630 = arith.constant 288 : i32
    %eq3A_631 = vector.broadcast %eq3A_630 : i32 to vector<8x256xi32>
    %eq3A_632 = arith.cmpi eq, %sub3A, %eq3A_631 : vector<8x256xi32>
    %select_n3A_633 = arith.select %eq3A_632, %squeeze3A_618, %select_n3A_616 : vector<8x256xi1>, vector<8x256xf32>
    %slice3A_634 = vector.extract_strided_slice %reshape3A {offsets = [37, 0, 0], sizes = [1, 8, 256], strides = [1, 1, 1]} : vector<49x8x256xf32> to vector<1x8x256xf32>
    %squeeze3A_635 = vector.shape_cast %slice3A_634 : vector<1x8x256xf32> to vector<8x256xf32>
    %max3A_636 = arith.maximumf %max3A_619, %squeeze3A_635 : vector<8x256xf32>
    %min3A_637 = arith.minimumf %max3A_619, %squeeze3A_635 : vector<8x256xf32>
    %max3A_638 = arith.maximumf %max3A_621, %min3A_637 : vector<8x256xf32>
    %min3A_639 = arith.minimumf %max3A_621, %min3A_637 : vector<8x256xf32>
    %max3A_640 = arith.maximumf %max3A_623, %min3A_639 : vector<8x256xf32>
    %min3A_641 = arith.minimumf %max3A_623, %min3A_639 : vector<8x256xf32>
    %max3A_642 = arith.maximumf %max3A_625, %min3A_641 : vector<8x256xf32>
    %min3A_643 = arith.minimumf %max3A_625, %min3A_641 : vector<8x256xf32>
    %max3A_644 = arith.maximumf %max3A_627, %min3A_643 : vector<8x256xf32>
    %min3A_645 = arith.minimumf %max3A_627, %min3A_643 : vector<8x256xf32>
    %max3A_646 = arith.maximumf %max3A_629, %min3A_645 : vector<8x256xf32>
    %eq3A_647 = arith.constant 296 : i32
    %eq3A_648 = vector.broadcast %eq3A_647 : i32 to vector<8x256xi32>
    %eq3A_649 = arith.cmpi eq, %sub3A, %eq3A_648 : vector<8x256xi32>
    %select_n3A_650 = arith.select %eq3A_649, %squeeze3A_635, %select_n3A_633 : vector<8x256xi1>, vector<8x256xf32>
    %slice3A_651 = vector.extract_strided_slice %reshape3A {offsets = [38, 0, 0], sizes = [1, 8, 256], strides = [1, 1, 1]} : vector<49x8x256xf32> to vector<1x8x256xf32>
    %squeeze3A_652 = vector.shape_cast %slice3A_651 : vector<1x8x256xf32> to vector<8x256xf32>
    %max3A_653 = arith.maximumf %max3A_636, %squeeze3A_652 : vector<8x256xf32>
    %min3A_654 = arith.minimumf %max3A_636, %squeeze3A_652 : vector<8x256xf32>
    %max3A_655 = arith.maximumf %max3A_638, %min3A_654 : vector<8x256xf32>
    %min3A_656 = arith.minimumf %max3A_638, %min3A_654 : vector<8x256xf32>
    %max3A_657 = arith.maximumf %max3A_640, %min3A_656 : vector<8x256xf32>
    %min3A_658 = arith.minimumf %max3A_640, %min3A_656 : vector<8x256xf32>
    %max3A_659 = arith.maximumf %max3A_642, %min3A_658 : vector<8x256xf32>
    %min3A_660 = arith.minimumf %max3A_642, %min3A_658 : vector<8x256xf32>
    %max3A_661 = arith.maximumf %max3A_644, %min3A_660 : vector<8x256xf32>
    %min3A_662 = arith.minimumf %max3A_644, %min3A_660 : vector<8x256xf32>
    %max3A_663 = arith.maximumf %max3A_646, %min3A_662 : vector<8x256xf32>
    %eq3A_664 = arith.constant 304 : i32
    %eq3A_665 = vector.broadcast %eq3A_664 : i32 to vector<8x256xi32>
    %eq3A_666 = arith.cmpi eq, %sub3A, %eq3A_665 : vector<8x256xi32>
    %select_n3A_667 = arith.select %eq3A_666, %squeeze3A_652, %select_n3A_650 : vector<8x256xi1>, vector<8x256xf32>
    %slice3A_668 = vector.extract_strided_slice %reshape3A {offsets = [39, 0, 0], sizes = [1, 8, 256], strides = [1, 1, 1]} : vector<49x8x256xf32> to vector<1x8x256xf32>
    %squeeze3A_669 = vector.shape_cast %slice3A_668 : vector<1x8x256xf32> to vector<8x256xf32>
    %max3A_670 = arith.maximumf %max3A_653, %squeeze3A_669 : vector<8x256xf32>
    %min3A_671 = arith.minimumf %max3A_653, %squeeze3A_669 : vector<8x256xf32>
    %max3A_672 = arith.maximumf %max3A_655, %min3A_671 : vector<8x256xf32>
    %min3A_673 = arith.minimumf %max3A_655, %min3A_671 : vector<8x256xf32>
    %max3A_674 = arith.maximumf %max3A_657, %min3A_673 : vector<8x256xf32>
    %min3A_675 = arith.minimumf %max3A_657, %min3A_673 : vector<8x256xf32>
    %max3A_676 = arith.maximumf %max3A_659, %min3A_675 : vector<8x256xf32>
    %min3A_677 = arith.minimumf %max3A_659, %min3A_675 : vector<8x256xf32>
    %max3A_678 = arith.maximumf %max3A_661, %min3A_677 : vector<8x256xf32>
    %min3A_679 = arith.minimumf %max3A_661, %min3A_677 : vector<8x256xf32>
    %max3A_680 = arith.maximumf %max3A_663, %min3A_679 : vector<8x256xf32>
    %eq3A_681 = arith.constant 312 : i32
    %eq3A_682 = vector.broadcast %eq3A_681 : i32 to vector<8x256xi32>
    %eq3A_683 = arith.cmpi eq, %sub3A, %eq3A_682 : vector<8x256xi32>
    %select_n3A_684 = arith.select %eq3A_683, %squeeze3A_669, %select_n3A_667 : vector<8x256xi1>, vector<8x256xf32>
    %slice3A_685 = vector.extract_strided_slice %reshape3A {offsets = [40, 0, 0], sizes = [1, 8, 256], strides = [1, 1, 1]} : vector<49x8x256xf32> to vector<1x8x256xf32>
    %squeeze3A_686 = vector.shape_cast %slice3A_685 : vector<1x8x256xf32> to vector<8x256xf32>
    %max3A_687 = arith.maximumf %max3A_670, %squeeze3A_686 : vector<8x256xf32>
    %min3A_688 = arith.minimumf %max3A_670, %squeeze3A_686 : vector<8x256xf32>
    %max3A_689 = arith.maximumf %max3A_672, %min3A_688 : vector<8x256xf32>
    %min3A_690 = arith.minimumf %max3A_672, %min3A_688 : vector<8x256xf32>
    %max3A_691 = arith.maximumf %max3A_674, %min3A_690 : vector<8x256xf32>
    %min3A_692 = arith.minimumf %max3A_674, %min3A_690 : vector<8x256xf32>
    %max3A_693 = arith.maximumf %max3A_676, %min3A_692 : vector<8x256xf32>
    %min3A_694 = arith.minimumf %max3A_676, %min3A_692 : vector<8x256xf32>
    %max3A_695 = arith.maximumf %max3A_678, %min3A_694 : vector<8x256xf32>
    %min3A_696 = arith.minimumf %max3A_678, %min3A_694 : vector<8x256xf32>
    %max3A_697 = arith.maximumf %max3A_680, %min3A_696 : vector<8x256xf32>
    %eq3A_698 = arith.constant 320 : i32
    %eq3A_699 = vector.broadcast %eq3A_698 : i32 to vector<8x256xi32>
    %eq3A_700 = arith.cmpi eq, %sub3A, %eq3A_699 : vector<8x256xi32>
    %select_n3A_701 = arith.select %eq3A_700, %squeeze3A_686, %select_n3A_684 : vector<8x256xi1>, vector<8x256xf32>
    %slice3A_702 = vector.extract_strided_slice %reshape3A {offsets = [41, 0, 0], sizes = [1, 8, 256], strides = [1, 1, 1]} : vector<49x8x256xf32> to vector<1x8x256xf32>
    %squeeze3A_703 = vector.shape_cast %slice3A_702 : vector<1x8x256xf32> to vector<8x256xf32>
    %max3A_704 = arith.maximumf %max3A_687, %squeeze3A_703 : vector<8x256xf32>
    %min3A_705 = arith.minimumf %max3A_687, %squeeze3A_703 : vector<8x256xf32>
    %max3A_706 = arith.maximumf %max3A_689, %min3A_705 : vector<8x256xf32>
    %min3A_707 = arith.minimumf %max3A_689, %min3A_705 : vector<8x256xf32>
    %max3A_708 = arith.maximumf %max3A_691, %min3A_707 : vector<8x256xf32>
    %min3A_709 = arith.minimumf %max3A_691, %min3A_707 : vector<8x256xf32>
    %max3A_710 = arith.maximumf %max3A_693, %min3A_709 : vector<8x256xf32>
    %min3A_711 = arith.minimumf %max3A_693, %min3A_709 : vector<8x256xf32>
    %max3A_712 = arith.maximumf %max3A_695, %min3A_711 : vector<8x256xf32>
    %min3A_713 = arith.minimumf %max3A_695, %min3A_711 : vector<8x256xf32>
    %max3A_714 = arith.maximumf %max3A_697, %min3A_713 : vector<8x256xf32>
    %eq3A_715 = arith.constant 328 : i32
    %eq3A_716 = vector.broadcast %eq3A_715 : i32 to vector<8x256xi32>
    %eq3A_717 = arith.cmpi eq, %sub3A, %eq3A_716 : vector<8x256xi32>
    %select_n3A_718 = arith.select %eq3A_717, %squeeze3A_703, %select_n3A_701 : vector<8x256xi1>, vector<8x256xf32>
    %slice3A_719 = vector.extract_strided_slice %reshape3A {offsets = [42, 0, 0], sizes = [1, 8, 256], strides = [1, 1, 1]} : vector<49x8x256xf32> to vector<1x8x256xf32>
    %squeeze3A_720 = vector.shape_cast %slice3A_719 : vector<1x8x256xf32> to vector<8x256xf32>
    %max3A_721 = arith.maximumf %max3A_704, %squeeze3A_720 : vector<8x256xf32>
    %min3A_722 = arith.minimumf %max3A_704, %squeeze3A_720 : vector<8x256xf32>
    %max3A_723 = arith.maximumf %max3A_706, %min3A_722 : vector<8x256xf32>
    %min3A_724 = arith.minimumf %max3A_706, %min3A_722 : vector<8x256xf32>
    %max3A_725 = arith.maximumf %max3A_708, %min3A_724 : vector<8x256xf32>
    %min3A_726 = arith.minimumf %max3A_708, %min3A_724 : vector<8x256xf32>
    %max3A_727 = arith.maximumf %max3A_710, %min3A_726 : vector<8x256xf32>
    %min3A_728 = arith.minimumf %max3A_710, %min3A_726 : vector<8x256xf32>
    %max3A_729 = arith.maximumf %max3A_712, %min3A_728 : vector<8x256xf32>
    %min3A_730 = arith.minimumf %max3A_712, %min3A_728 : vector<8x256xf32>
    %max3A_731 = arith.maximumf %max3A_714, %min3A_730 : vector<8x256xf32>
    %eq3A_732 = arith.constant 336 : i32
    %eq3A_733 = vector.broadcast %eq3A_732 : i32 to vector<8x256xi32>
    %eq3A_734 = arith.cmpi eq, %sub3A, %eq3A_733 : vector<8x256xi32>
    %select_n3A_735 = arith.select %eq3A_734, %squeeze3A_720, %select_n3A_718 : vector<8x256xi1>, vector<8x256xf32>
    %slice3A_736 = vector.extract_strided_slice %reshape3A {offsets = [43, 0, 0], sizes = [1, 8, 256], strides = [1, 1, 1]} : vector<49x8x256xf32> to vector<1x8x256xf32>
    %squeeze3A_737 = vector.shape_cast %slice3A_736 : vector<1x8x256xf32> to vector<8x256xf32>
    %max3A_738 = arith.maximumf %max3A_721, %squeeze3A_737 : vector<8x256xf32>
    %min3A_739 = arith.minimumf %max3A_721, %squeeze3A_737 : vector<8x256xf32>
    %max3A_740 = arith.maximumf %max3A_723, %min3A_739 : vector<8x256xf32>
    %min3A_741 = arith.minimumf %max3A_723, %min3A_739 : vector<8x256xf32>
    %max3A_742 = arith.maximumf %max3A_725, %min3A_741 : vector<8x256xf32>
    %min3A_743 = arith.minimumf %max3A_725, %min3A_741 : vector<8x256xf32>
    %max3A_744 = arith.maximumf %max3A_727, %min3A_743 : vector<8x256xf32>
    %min3A_745 = arith.minimumf %max3A_727, %min3A_743 : vector<8x256xf32>
    %max3A_746 = arith.maximumf %max3A_729, %min3A_745 : vector<8x256xf32>
    %min3A_747 = arith.minimumf %max3A_729, %min3A_745 : vector<8x256xf32>
    %max3A_748 = arith.maximumf %max3A_731, %min3A_747 : vector<8x256xf32>
    %eq3A_749 = arith.constant 344 : i32
    %eq3A_750 = vector.broadcast %eq3A_749 : i32 to vector<8x256xi32>
    %eq3A_751 = arith.cmpi eq, %sub3A, %eq3A_750 : vector<8x256xi32>
    %select_n3A_752 = arith.select %eq3A_751, %squeeze3A_737, %select_n3A_735 : vector<8x256xi1>, vector<8x256xf32>
    %slice3A_753 = vector.extract_strided_slice %reshape3A {offsets = [44, 0, 0], sizes = [1, 8, 256], strides = [1, 1, 1]} : vector<49x8x256xf32> to vector<1x8x256xf32>
    %squeeze3A_754 = vector.shape_cast %slice3A_753 : vector<1x8x256xf32> to vector<8x256xf32>
    %max3A_755 = arith.maximumf %max3A_738, %squeeze3A_754 : vector<8x256xf32>
    %min3A_756 = arith.minimumf %max3A_738, %squeeze3A_754 : vector<8x256xf32>
    %max3A_757 = arith.maximumf %max3A_740, %min3A_756 : vector<8x256xf32>
    %min3A_758 = arith.minimumf %max3A_740, %min3A_756 : vector<8x256xf32>
    %max3A_759 = arith.maximumf %max3A_742, %min3A_758 : vector<8x256xf32>
    %min3A_760 = arith.minimumf %max3A_742, %min3A_758 : vector<8x256xf32>
    %max3A_761 = arith.maximumf %max3A_744, %min3A_760 : vector<8x256xf32>
    %min3A_762 = arith.minimumf %max3A_744, %min3A_760 : vector<8x256xf32>
    %max3A_763 = arith.maximumf %max3A_746, %min3A_762 : vector<8x256xf32>
    %min3A_764 = arith.minimumf %max3A_746, %min3A_762 : vector<8x256xf32>
    %max3A_765 = arith.maximumf %max3A_748, %min3A_764 : vector<8x256xf32>
    %eq3A_766 = arith.constant 352 : i32
    %eq3A_767 = vector.broadcast %eq3A_766 : i32 to vector<8x256xi32>
    %eq3A_768 = arith.cmpi eq, %sub3A, %eq3A_767 : vector<8x256xi32>
    %select_n3A_769 = arith.select %eq3A_768, %squeeze3A_754, %select_n3A_752 : vector<8x256xi1>, vector<8x256xf32>
    %slice3A_770 = vector.extract_strided_slice %reshape3A {offsets = [45, 0, 0], sizes = [1, 8, 256], strides = [1, 1, 1]} : vector<49x8x256xf32> to vector<1x8x256xf32>
    %squeeze3A_771 = vector.shape_cast %slice3A_770 : vector<1x8x256xf32> to vector<8x256xf32>
    %max3A_772 = arith.maximumf %max3A_755, %squeeze3A_771 : vector<8x256xf32>
    %min3A_773 = arith.minimumf %max3A_755, %squeeze3A_771 : vector<8x256xf32>
    %max3A_774 = arith.maximumf %max3A_757, %min3A_773 : vector<8x256xf32>
    %min3A_775 = arith.minimumf %max3A_757, %min3A_773 : vector<8x256xf32>
    %max3A_776 = arith.maximumf %max3A_759, %min3A_775 : vector<8x256xf32>
    %min3A_777 = arith.minimumf %max3A_759, %min3A_775 : vector<8x256xf32>
    %max3A_778 = arith.maximumf %max3A_761, %min3A_777 : vector<8x256xf32>
    %min3A_779 = arith.minimumf %max3A_761, %min3A_777 : vector<8x256xf32>
    %max3A_780 = arith.maximumf %max3A_763, %min3A_779 : vector<8x256xf32>
    %min3A_781 = arith.minimumf %max3A_763, %min3A_779 : vector<8x256xf32>
    %max3A_782 = arith.maximumf %max3A_765, %min3A_781 : vector<8x256xf32>
    %eq3A_783 = arith.constant 360 : i32
    %eq3A_784 = vector.broadcast %eq3A_783 : i32 to vector<8x256xi32>
    %eq3A_785 = arith.cmpi eq, %sub3A, %eq3A_784 : vector<8x256xi32>
    %select_n3A_786 = arith.select %eq3A_785, %squeeze3A_771, %select_n3A_769 : vector<8x256xi1>, vector<8x256xf32>
    %slice3A_787 = vector.extract_strided_slice %reshape3A {offsets = [46, 0, 0], sizes = [1, 8, 256], strides = [1, 1, 1]} : vector<49x8x256xf32> to vector<1x8x256xf32>
    %squeeze3A_788 = vector.shape_cast %slice3A_787 : vector<1x8x256xf32> to vector<8x256xf32>
    %max3A_789 = arith.maximumf %max3A_772, %squeeze3A_788 : vector<8x256xf32>
    %min3A_790 = arith.minimumf %max3A_772, %squeeze3A_788 : vector<8x256xf32>
    %max3A_791 = arith.maximumf %max3A_774, %min3A_790 : vector<8x256xf32>
    %min3A_792 = arith.minimumf %max3A_774, %min3A_790 : vector<8x256xf32>
    %max3A_793 = arith.maximumf %max3A_776, %min3A_792 : vector<8x256xf32>
    %min3A_794 = arith.minimumf %max3A_776, %min3A_792 : vector<8x256xf32>
    %max3A_795 = arith.maximumf %max3A_778, %min3A_794 : vector<8x256xf32>
    %min3A_796 = arith.minimumf %max3A_778, %min3A_794 : vector<8x256xf32>
    %max3A_797 = arith.maximumf %max3A_780, %min3A_796 : vector<8x256xf32>
    %min3A_798 = arith.minimumf %max3A_780, %min3A_796 : vector<8x256xf32>
    %max3A_799 = arith.maximumf %max3A_782, %min3A_798 : vector<8x256xf32>
    %eq3A_800 = arith.constant 368 : i32
    %eq3A_801 = vector.broadcast %eq3A_800 : i32 to vector<8x256xi32>
    %eq3A_802 = arith.cmpi eq, %sub3A, %eq3A_801 : vector<8x256xi32>
    %select_n3A_803 = arith.select %eq3A_802, %squeeze3A_788, %select_n3A_786 : vector<8x256xi1>, vector<8x256xf32>
    %slice3A_804 = vector.extract_strided_slice %reshape3A {offsets = [47, 0, 0], sizes = [1, 8, 256], strides = [1, 1, 1]} : vector<49x8x256xf32> to vector<1x8x256xf32>
    %squeeze3A_805 = vector.shape_cast %slice3A_804 : vector<1x8x256xf32> to vector<8x256xf32>
    %max3A_806 = arith.maximumf %max3A_789, %squeeze3A_805 : vector<8x256xf32>
    %min3A_807 = arith.minimumf %max3A_789, %squeeze3A_805 : vector<8x256xf32>
    %max3A_808 = arith.maximumf %max3A_791, %min3A_807 : vector<8x256xf32>
    %min3A_809 = arith.minimumf %max3A_791, %min3A_807 : vector<8x256xf32>
    %max3A_810 = arith.maximumf %max3A_793, %min3A_809 : vector<8x256xf32>
    %min3A_811 = arith.minimumf %max3A_793, %min3A_809 : vector<8x256xf32>
    %max3A_812 = arith.maximumf %max3A_795, %min3A_811 : vector<8x256xf32>
    %min3A_813 = arith.minimumf %max3A_795, %min3A_811 : vector<8x256xf32>
    %max3A_814 = arith.maximumf %max3A_797, %min3A_813 : vector<8x256xf32>
    %min3A_815 = arith.minimumf %max3A_797, %min3A_813 : vector<8x256xf32>
    %max3A_816 = arith.maximumf %max3A_799, %min3A_815 : vector<8x256xf32>
    %eq3A_817 = arith.constant 376 : i32
    %eq3A_818 = vector.broadcast %eq3A_817 : i32 to vector<8x256xi32>
    %eq3A_819 = arith.cmpi eq, %sub3A, %eq3A_818 : vector<8x256xi32>
    %select_n3A_820 = arith.select %eq3A_819, %squeeze3A_805, %select_n3A_803 : vector<8x256xi1>, vector<8x256xf32>
    %slice3A_821 = vector.extract_strided_slice %reshape3A {offsets = [48, 0, 0], sizes = [1, 8, 256], strides = [1, 1, 1]} : vector<49x8x256xf32> to vector<1x8x256xf32>
    %squeeze3A_822 = vector.shape_cast %slice3A_821 : vector<1x8x256xf32> to vector<8x256xf32>
    %max3A_823 = arith.maximumf %max3A_806, %squeeze3A_822 : vector<8x256xf32>
    %min3A_824 = arith.minimumf %max3A_806, %squeeze3A_822 : vector<8x256xf32>
    %max3A_825 = arith.maximumf %max3A_808, %min3A_824 : vector<8x256xf32>
    %min3A_826 = arith.minimumf %max3A_808, %min3A_824 : vector<8x256xf32>
    %max3A_827 = arith.maximumf %max3A_810, %min3A_826 : vector<8x256xf32>
    %min3A_828 = arith.minimumf %max3A_810, %min3A_826 : vector<8x256xf32>
    %max3A_829 = arith.maximumf %max3A_812, %min3A_828 : vector<8x256xf32>
    %min3A_830 = arith.minimumf %max3A_812, %min3A_828 : vector<8x256xf32>
    %max3A_831 = arith.maximumf %max3A_814, %min3A_830 : vector<8x256xf32>
    %min3A_832 = arith.minimumf %max3A_814, %min3A_830 : vector<8x256xf32>
    %max3A_833 = arith.maximumf %max3A_816, %min3A_832 : vector<8x256xf32>
    %eq3A_834 = arith.constant 384 : i32
    %eq3A_835 = vector.broadcast %eq3A_834 : i32 to vector<8x256xi32>
    %eq3A_836 = arith.cmpi eq, %sub3A, %eq3A_835 : vector<8x256xi32>
    %select_n3A_837 = arith.select %eq3A_836, %squeeze3A_822, %select_n3A_820 : vector<8x256xi1>, vector<8x256xf32>
    %broadcast_in_dim3A_838 = arith.constant 0.000000e+00 : f32
    %broadcast_in_dim3A_839 = vector.broadcast %broadcast_in_dim3A_838 : f32 to vector<1x256xf32>
    %broadcast_in_dim3A_840 = arith.constant 0xFF800000 : f32
    %broadcast_in_dim3A_841 = vector.broadcast %broadcast_in_dim3A_840 : f32 to vector<1x256xf32>
    %broadcast_in_dim3A_842 = arith.constant false
    %broadcast_in_dim3A_843 = vector.broadcast %broadcast_in_dim3A_842 : i1 to vector<1x256xi1>
    %max3A_844 = arith.maximumf %max3A_823, %max3A_825 : vector<8x256xf32>
    %max3A_845 = arith.maximumf %max3A_844, %max3A_827 : vector<8x256xf32>
    %max3A_846 = arith.maximumf %max3A_845, %max3A_829 : vector<8x256xf32>
    %max3A_847 = arith.maximumf %max3A_846, %max3A_831 : vector<8x256xf32>
    %max3A_848 = arith.maximumf %max3A_847, %max3A_833 : vector<8x256xf32>
    %reduce_max3A = arith.constant dense<0xFF800000> : vector<256xf32>
    %reduce_max3A_849 = vector.multi_reduction <maximumf>, %max3A_848, %reduce_max3A [0] : vector<8x256xf32> to vector<256xf32>
    %broadcast_in_dim3A_850 = vector.shape_cast %reduce_max3A_849 : vector<256xf32> to vector<1x256xf32>
    %eq3A_851 = vector.broadcast %broadcast_in_dim3A_850 : vector<1x256xf32> to vector<8x256xf32>
    %eq3A_852 = arith.cmpf oeq, %max3A_823, %eq3A_851 : vector<8x256xf32>
    %convert_element_type3A = arith.extui %eq3A_852 : vector<8x256xi1> to vector<8x256xi32>
    %convert_element_type3A_853 = arith.sitofp %convert_element_type3A : vector<8x256xi32> to vector<8x256xf32>
    %eq3A_854 = vector.broadcast %broadcast_in_dim3A_850 : vector<1x256xf32> to vector<8x256xf32>
    %eq3A_855 = arith.cmpf oeq, %max3A_825, %eq3A_854 : vector<8x256xf32>
    %convert_element_type3A_856 = arith.extui %eq3A_855 : vector<8x256xi1> to vector<8x256xi32>
    %convert_element_type3A_857 = arith.sitofp %convert_element_type3A_856 : vector<8x256xi32> to vector<8x256xf32>
    %add3A = arith.addf %convert_element_type3A_853, %convert_element_type3A_857 : vector<8x256xf32>
    %eq3A_858 = vector.broadcast %broadcast_in_dim3A_850 : vector<1x256xf32> to vector<8x256xf32>
    %eq3A_859 = arith.cmpf oeq, %max3A_827, %eq3A_858 : vector<8x256xf32>
    %convert_element_type3A_860 = arith.extui %eq3A_859 : vector<8x256xi1> to vector<8x256xi32>
    %convert_element_type3A_861 = arith.sitofp %convert_element_type3A_860 : vector<8x256xi32> to vector<8x256xf32>
    %add3A_862 = arith.addf %add3A, %convert_element_type3A_861 : vector<8x256xf32>
    %eq3A_863 = vector.broadcast %broadcast_in_dim3A_850 : vector<1x256xf32> to vector<8x256xf32>
    %eq3A_864 = arith.cmpf oeq, %max3A_829, %eq3A_863 : vector<8x256xf32>
    %convert_element_type3A_865 = arith.extui %eq3A_864 : vector<8x256xi1> to vector<8x256xi32>
    %convert_element_type3A_866 = arith.sitofp %convert_element_type3A_865 : vector<8x256xi32> to vector<8x256xf32>
    %add3A_867 = arith.addf %add3A_862, %convert_element_type3A_866 : vector<8x256xf32>
    %eq3A_868 = vector.broadcast %broadcast_in_dim3A_850 : vector<1x256xf32> to vector<8x256xf32>
    %eq3A_869 = arith.cmpf oeq, %max3A_831, %eq3A_868 : vector<8x256xf32>
    %convert_element_type3A_870 = arith.extui %eq3A_869 : vector<8x256xi1> to vector<8x256xi32>
    %convert_element_type3A_871 = arith.sitofp %convert_element_type3A_870 : vector<8x256xi32> to vector<8x256xf32>
    %add3A_872 = arith.addf %add3A_867, %convert_element_type3A_871 : vector<8x256xf32>
    %eq3A_873 = vector.broadcast %broadcast_in_dim3A_850 : vector<1x256xf32> to vector<8x256xf32>
    %eq3A_874 = arith.cmpf oeq, %max3A_833, %eq3A_873 : vector<8x256xf32>
    %convert_element_type3A_875 = arith.extui %eq3A_874 : vector<8x256xi1> to vector<8x256xi32>
    %convert_element_type3A_876 = arith.sitofp %convert_element_type3A_875 : vector<8x256xi32> to vector<8x256xf32>
    %add3A_877 = arith.addf %add3A_872, %convert_element_type3A_876 : vector<8x256xf32>
    %reduce_sum3A = arith.constant dense<0.000000e+00> : vector<256xf32>
    %reduce_sum3A_878 = vector.multi_reduction <add>, %add3A_877, %reduce_sum3A [0] : vector<8x256xf32> to vector<256xf32>
    %broadcast_in_dim3A_879 = vector.shape_cast %reduce_sum3A_878 : vector<256xf32> to vector<1x256xf32>
    %add3A_880 = arith.addf %broadcast_in_dim3A_839, %broadcast_in_dim3A_879 : vector<1x256xf32>
    %not3A = arith.constant dense<true> : vector<1x256xi1>
    %not3A_881 = arith.xori %broadcast_in_dim3A_843, %not3A : vector<1x256xi1>
    %ge3A = arith.constant 6.000000e+00 : f32
    %ge3A_882 = vector.broadcast %ge3A : f32 to vector<1x256xf32>
    %ge3A_883 = arith.cmpf oge, %add3A_880, %ge3A_882 : vector<1x256xf32>
    %and3A = arith.andi %not3A_881, %ge3A_883 : vector<1x256xi1>
    %select_n3A_884 = arith.select %and3A, %broadcast_in_dim3A_850, %broadcast_in_dim3A_841 : vector<1x256xi1>, vector<1x256xf32>
    %ge3A_885 = arith.constant 6.000000e+00 : f32
    %ge3A_886 = vector.broadcast %ge3A_885 : f32 to vector<1x256xf32>
    %ge3A_887 = arith.cmpf oge, %add3A_880, %ge3A_886 : vector<1x256xf32>
    %or3A = arith.ori %broadcast_in_dim3A_843, %ge3A_887 : vector<1x256xi1>
    %eq3A_888 = vector.broadcast %broadcast_in_dim3A_850 : vector<1x256xf32> to vector<8x256xf32>
    %eq3A_889 = arith.cmpf oeq, %max3A_823, %eq3A_888 : vector<8x256xf32>
    %jit3A = arith.constant 0xFF800000 : f32
    %broadcast_in_dim3A_890 = vector.broadcast %jit3A : f32 to vector<8x256xf32>
    %select_n3A_891 = arith.select %eq3A_889, %broadcast_in_dim3A_890, %max3A_823 : vector<8x256xi1>, vector<8x256xf32>
    %eq3A_892 = vector.broadcast %broadcast_in_dim3A_850 : vector<1x256xf32> to vector<8x256xf32>
    %eq3A_893 = arith.cmpf oeq, %max3A_825, %eq3A_892 : vector<8x256xf32>
    %jit3A_894 = arith.constant 0xFF800000 : f32
    %broadcast_in_dim3A_895 = vector.broadcast %jit3A_894 : f32 to vector<8x256xf32>
    %select_n3A_896 = arith.select %eq3A_893, %broadcast_in_dim3A_895, %max3A_825 : vector<8x256xi1>, vector<8x256xf32>
    %eq3A_897 = vector.broadcast %broadcast_in_dim3A_850 : vector<1x256xf32> to vector<8x256xf32>
    %eq3A_898 = arith.cmpf oeq, %max3A_827, %eq3A_897 : vector<8x256xf32>
    %jit3A_899 = arith.constant 0xFF800000 : f32
    %broadcast_in_dim3A_900 = vector.broadcast %jit3A_899 : f32 to vector<8x256xf32>
    %select_n3A_901 = arith.select %eq3A_898, %broadcast_in_dim3A_900, %max3A_827 : vector<8x256xi1>, vector<8x256xf32>
    %eq3A_902 = vector.broadcast %broadcast_in_dim3A_850 : vector<1x256xf32> to vector<8x256xf32>
    %eq3A_903 = arith.cmpf oeq, %max3A_829, %eq3A_902 : vector<8x256xf32>
    %jit3A_904 = arith.constant 0xFF800000 : f32
    %broadcast_in_dim3A_905 = vector.broadcast %jit3A_904 : f32 to vector<8x256xf32>
    %select_n3A_906 = arith.select %eq3A_903, %broadcast_in_dim3A_905, %max3A_829 : vector<8x256xi1>, vector<8x256xf32>
    %eq3A_907 = vector.broadcast %broadcast_in_dim3A_850 : vector<1x256xf32> to vector<8x256xf32>
    %eq3A_908 = arith.cmpf oeq, %max3A_831, %eq3A_907 : vector<8x256xf32>
    %jit3A_909 = arith.constant 0xFF800000 : f32
    %broadcast_in_dim3A_910 = vector.broadcast %jit3A_909 : f32 to vector<8x256xf32>
    %select_n3A_911 = arith.select %eq3A_908, %broadcast_in_dim3A_910, %max3A_831 : vector<8x256xi1>, vector<8x256xf32>
    %eq3A_912 = vector.broadcast %broadcast_in_dim3A_850 : vector<1x256xf32> to vector<8x256xf32>
    %eq3A_913 = arith.cmpf oeq, %max3A_833, %eq3A_912 : vector<8x256xf32>
    %jit3A_914 = arith.constant 0xFF800000 : f32
    %broadcast_in_dim3A_915 = vector.broadcast %jit3A_914 : f32 to vector<8x256xf32>
    %select_n3A_916 = arith.select %eq3A_913, %broadcast_in_dim3A_915, %max3A_833 : vector<8x256xi1>, vector<8x256xf32>
    %max3A_917 = arith.maximumf %select_n3A_891, %select_n3A_896 : vector<8x256xf32>
    %max3A_918 = arith.maximumf %max3A_917, %select_n3A_901 : vector<8x256xf32>
    %max3A_919 = arith.maximumf %max3A_918, %select_n3A_906 : vector<8x256xf32>
    %max3A_920 = arith.maximumf %max3A_919, %select_n3A_911 : vector<8x256xf32>
    %max3A_921 = arith.maximumf %max3A_920, %select_n3A_916 : vector<8x256xf32>
    %reduce_max3A_922 = arith.constant dense<0xFF800000> : vector<256xf32>
    %reduce_max3A_923 = vector.multi_reduction <maximumf>, %max3A_921, %reduce_max3A_922 [0] : vector<8x256xf32> to vector<256xf32>
    %broadcast_in_dim3A_924 = vector.shape_cast %reduce_max3A_923 : vector<256xf32> to vector<1x256xf32>
    %eq3A_925 = vector.broadcast %broadcast_in_dim3A_924 : vector<1x256xf32> to vector<8x256xf32>
    %eq3A_926 = arith.cmpf oeq, %select_n3A_891, %eq3A_925 : vector<8x256xf32>
    %convert_element_type3A_927 = arith.extui %eq3A_926 : vector<8x256xi1> to vector<8x256xi32>
    %convert_element_type3A_928 = arith.sitofp %convert_element_type3A_927 : vector<8x256xi32> to vector<8x256xf32>
    %eq3A_929 = vector.broadcast %broadcast_in_dim3A_924 : vector<1x256xf32> to vector<8x256xf32>
    %eq3A_930 = arith.cmpf oeq, %select_n3A_896, %eq3A_929 : vector<8x256xf32>
    %convert_element_type3A_931 = arith.extui %eq3A_930 : vector<8x256xi1> to vector<8x256xi32>
    %convert_element_type3A_932 = arith.sitofp %convert_element_type3A_931 : vector<8x256xi32> to vector<8x256xf32>
    %add3A_933 = arith.addf %convert_element_type3A_928, %convert_element_type3A_932 : vector<8x256xf32>
    %eq3A_934 = vector.broadcast %broadcast_in_dim3A_924 : vector<1x256xf32> to vector<8x256xf32>
    %eq3A_935 = arith.cmpf oeq, %select_n3A_901, %eq3A_934 : vector<8x256xf32>
    %convert_element_type3A_936 = arith.extui %eq3A_935 : vector<8x256xi1> to vector<8x256xi32>
    %convert_element_type3A_937 = arith.sitofp %convert_element_type3A_936 : vector<8x256xi32> to vector<8x256xf32>
    %add3A_938 = arith.addf %add3A_933, %convert_element_type3A_937 : vector<8x256xf32>
    %eq3A_939 = vector.broadcast %broadcast_in_dim3A_924 : vector<1x256xf32> to vector<8x256xf32>
    %eq3A_940 = arith.cmpf oeq, %select_n3A_906, %eq3A_939 : vector<8x256xf32>
    %convert_element_type3A_941 = arith.extui %eq3A_940 : vector<8x256xi1> to vector<8x256xi32>
    %convert_element_type3A_942 = arith.sitofp %convert_element_type3A_941 : vector<8x256xi32> to vector<8x256xf32>
    %add3A_943 = arith.addf %add3A_938, %convert_element_type3A_942 : vector<8x256xf32>
    %eq3A_944 = vector.broadcast %broadcast_in_dim3A_924 : vector<1x256xf32> to vector<8x256xf32>
    %eq3A_945 = arith.cmpf oeq, %select_n3A_911, %eq3A_944 : vector<8x256xf32>
    %convert_element_type3A_946 = arith.extui %eq3A_945 : vector<8x256xi1> to vector<8x256xi32>
    %convert_element_type3A_947 = arith.sitofp %convert_element_type3A_946 : vector<8x256xi32> to vector<8x256xf32>
    %add3A_948 = arith.addf %add3A_943, %convert_element_type3A_947 : vector<8x256xf32>
    %eq3A_949 = vector.broadcast %broadcast_in_dim3A_924 : vector<1x256xf32> to vector<8x256xf32>
    %eq3A_950 = arith.cmpf oeq, %select_n3A_916, %eq3A_949 : vector<8x256xf32>
    %convert_element_type3A_951 = arith.extui %eq3A_950 : vector<8x256xi1> to vector<8x256xi32>
    %convert_element_type3A_952 = arith.sitofp %convert_element_type3A_951 : vector<8x256xi32> to vector<8x256xf32>
    %add3A_953 = arith.addf %add3A_948, %convert_element_type3A_952 : vector<8x256xf32>
    %reduce_sum3A_954 = arith.constant dense<0.000000e+00> : vector<256xf32>
    %reduce_sum3A_955 = vector.multi_reduction <add>, %add3A_953, %reduce_sum3A_954 [0] : vector<8x256xf32> to vector<256xf32>
    %broadcast_in_dim3A_956 = vector.shape_cast %reduce_sum3A_955 : vector<256xf32> to vector<1x256xf32>
    %add3A_957 = arith.addf %add3A_880, %broadcast_in_dim3A_956 : vector<1x256xf32>
    %not3A_958 = arith.constant dense<true> : vector<1x256xi1>
    %not3A_959 = arith.xori %or3A, %not3A_958 : vector<1x256xi1>
    %ge3A_960 = arith.constant 6.000000e+00 : f32
    %ge3A_961 = vector.broadcast %ge3A_960 : f32 to vector<1x256xf32>
    %ge3A_962 = arith.cmpf oge, %add3A_957, %ge3A_961 : vector<1x256xf32>
    %and3A_963 = arith.andi %not3A_959, %ge3A_962 : vector<1x256xi1>
    %select_n3A_964 = arith.select %and3A_963, %broadcast_in_dim3A_924, %select_n3A_884 : vector<1x256xi1>, vector<1x256xf32>
    %ge3A_965 = arith.constant 6.000000e+00 : f32
    %ge3A_966 = vector.broadcast %ge3A_965 : f32 to vector<1x256xf32>
    %ge3A_967 = arith.cmpf oge, %add3A_957, %ge3A_966 : vector<1x256xf32>
    %or3A_968 = arith.ori %or3A, %ge3A_967 : vector<1x256xi1>
    %eq3A_969 = vector.broadcast %broadcast_in_dim3A_924 : vector<1x256xf32> to vector<8x256xf32>
    %eq3A_970 = arith.cmpf oeq, %select_n3A_891, %eq3A_969 : vector<8x256xf32>
    %jit3A_971 = arith.constant 0xFF800000 : f32
    %broadcast_in_dim3A_972 = vector.broadcast %jit3A_971 : f32 to vector<8x256xf32>
    %select_n3A_973 = arith.select %eq3A_970, %broadcast_in_dim3A_972, %select_n3A_891 : vector<8x256xi1>, vector<8x256xf32>
    %eq3A_974 = vector.broadcast %broadcast_in_dim3A_924 : vector<1x256xf32> to vector<8x256xf32>
    %eq3A_975 = arith.cmpf oeq, %select_n3A_896, %eq3A_974 : vector<8x256xf32>
    %jit3A_976 = arith.constant 0xFF800000 : f32
    %broadcast_in_dim3A_977 = vector.broadcast %jit3A_976 : f32 to vector<8x256xf32>
    %select_n3A_978 = arith.select %eq3A_975, %broadcast_in_dim3A_977, %select_n3A_896 : vector<8x256xi1>, vector<8x256xf32>
    %eq3A_979 = vector.broadcast %broadcast_in_dim3A_924 : vector<1x256xf32> to vector<8x256xf32>
    %eq3A_980 = arith.cmpf oeq, %select_n3A_901, %eq3A_979 : vector<8x256xf32>
    %jit3A_981 = arith.constant 0xFF800000 : f32
    %broadcast_in_dim3A_982 = vector.broadcast %jit3A_981 : f32 to vector<8x256xf32>
    %select_n3A_983 = arith.select %eq3A_980, %broadcast_in_dim3A_982, %select_n3A_901 : vector<8x256xi1>, vector<8x256xf32>
    %eq3A_984 = vector.broadcast %broadcast_in_dim3A_924 : vector<1x256xf32> to vector<8x256xf32>
    %eq3A_985 = arith.cmpf oeq, %select_n3A_906, %eq3A_984 : vector<8x256xf32>
    %jit3A_986 = arith.constant 0xFF800000 : f32
    %broadcast_in_dim3A_987 = vector.broadcast %jit3A_986 : f32 to vector<8x256xf32>
    %select_n3A_988 = arith.select %eq3A_985, %broadcast_in_dim3A_987, %select_n3A_906 : vector<8x256xi1>, vector<8x256xf32>
    %eq3A_989 = vector.broadcast %broadcast_in_dim3A_924 : vector<1x256xf32> to vector<8x256xf32>
    %eq3A_990 = arith.cmpf oeq, %select_n3A_911, %eq3A_989 : vector<8x256xf32>
    %jit3A_991 = arith.constant 0xFF800000 : f32
    %broadcast_in_dim3A_992 = vector.broadcast %jit3A_991 : f32 to vector<8x256xf32>
    %select_n3A_993 = arith.select %eq3A_990, %broadcast_in_dim3A_992, %select_n3A_911 : vector<8x256xi1>, vector<8x256xf32>
    %eq3A_994 = vector.broadcast %broadcast_in_dim3A_924 : vector<1x256xf32> to vector<8x256xf32>
    %eq3A_995 = arith.cmpf oeq, %select_n3A_916, %eq3A_994 : vector<8x256xf32>
    %jit3A_996 = arith.constant 0xFF800000 : f32
    %broadcast_in_dim3A_997 = vector.broadcast %jit3A_996 : f32 to vector<8x256xf32>
    %select_n3A_998 = arith.select %eq3A_995, %broadcast_in_dim3A_997, %select_n3A_916 : vector<8x256xi1>, vector<8x256xf32>
    %max3A_999 = arith.maximumf %select_n3A_973, %select_n3A_978 : vector<8x256xf32>
    %max3A_1000 = arith.maximumf %max3A_999, %select_n3A_983 : vector<8x256xf32>
    %max3A_1001 = arith.maximumf %max3A_1000, %select_n3A_988 : vector<8x256xf32>
    %max3A_1002 = arith.maximumf %max3A_1001, %select_n3A_993 : vector<8x256xf32>
    %max3A_1003 = arith.maximumf %max3A_1002, %select_n3A_998 : vector<8x256xf32>
    %reduce_max3A_1004 = arith.constant dense<0xFF800000> : vector<256xf32>
    %reduce_max3A_1005 = vector.multi_reduction <maximumf>, %max3A_1003, %reduce_max3A_1004 [0] : vector<8x256xf32> to vector<256xf32>
    %broadcast_in_dim3A_1006 = vector.shape_cast %reduce_max3A_1005 : vector<256xf32> to vector<1x256xf32>
    %eq3A_1007 = vector.broadcast %broadcast_in_dim3A_1006 : vector<1x256xf32> to vector<8x256xf32>
    %eq3A_1008 = arith.cmpf oeq, %select_n3A_973, %eq3A_1007 : vector<8x256xf32>
    %convert_element_type3A_1009 = arith.extui %eq3A_1008 : vector<8x256xi1> to vector<8x256xi32>
    %convert_element_type3A_1010 = arith.sitofp %convert_element_type3A_1009 : vector<8x256xi32> to vector<8x256xf32>
    %eq3A_1011 = vector.broadcast %broadcast_in_dim3A_1006 : vector<1x256xf32> to vector<8x256xf32>
    %eq3A_1012 = arith.cmpf oeq, %select_n3A_978, %eq3A_1011 : vector<8x256xf32>
    %convert_element_type3A_1013 = arith.extui %eq3A_1012 : vector<8x256xi1> to vector<8x256xi32>
    %convert_element_type3A_1014 = arith.sitofp %convert_element_type3A_1013 : vector<8x256xi32> to vector<8x256xf32>
    %add3A_1015 = arith.addf %convert_element_type3A_1010, %convert_element_type3A_1014 : vector<8x256xf32>
    %eq3A_1016 = vector.broadcast %broadcast_in_dim3A_1006 : vector<1x256xf32> to vector<8x256xf32>
    %eq3A_1017 = arith.cmpf oeq, %select_n3A_983, %eq3A_1016 : vector<8x256xf32>
    %convert_element_type3A_1018 = arith.extui %eq3A_1017 : vector<8x256xi1> to vector<8x256xi32>
    %convert_element_type3A_1019 = arith.sitofp %convert_element_type3A_1018 : vector<8x256xi32> to vector<8x256xf32>
    %add3A_1020 = arith.addf %add3A_1015, %convert_element_type3A_1019 : vector<8x256xf32>
    %eq3A_1021 = vector.broadcast %broadcast_in_dim3A_1006 : vector<1x256xf32> to vector<8x256xf32>
    %eq3A_1022 = arith.cmpf oeq, %select_n3A_988, %eq3A_1021 : vector<8x256xf32>
    %convert_element_type3A_1023 = arith.extui %eq3A_1022 : vector<8x256xi1> to vector<8x256xi32>
    %convert_element_type3A_1024 = arith.sitofp %convert_element_type3A_1023 : vector<8x256xi32> to vector<8x256xf32>
    %add3A_1025 = arith.addf %add3A_1020, %convert_element_type3A_1024 : vector<8x256xf32>
    %eq3A_1026 = vector.broadcast %broadcast_in_dim3A_1006 : vector<1x256xf32> to vector<8x256xf32>
    %eq3A_1027 = arith.cmpf oeq, %select_n3A_993, %eq3A_1026 : vector<8x256xf32>
    %convert_element_type3A_1028 = arith.extui %eq3A_1027 : vector<8x256xi1> to vector<8x256xi32>
    %convert_element_type3A_1029 = arith.sitofp %convert_element_type3A_1028 : vector<8x256xi32> to vector<8x256xf32>
    %add3A_1030 = arith.addf %add3A_1025, %convert_element_type3A_1029 : vector<8x256xf32>
    %eq3A_1031 = vector.broadcast %broadcast_in_dim3A_1006 : vector<1x256xf32> to vector<8x256xf32>
    %eq3A_1032 = arith.cmpf oeq, %select_n3A_998, %eq3A_1031 : vector<8x256xf32>
    %convert_element_type3A_1033 = arith.extui %eq3A_1032 : vector<8x256xi1> to vector<8x256xi32>
    %convert_element_type3A_1034 = arith.sitofp %convert_element_type3A_1033 : vector<8x256xi32> to vector<8x256xf32>
    %add3A_1035 = arith.addf %add3A_1030, %convert_element_type3A_1034 : vector<8x256xf32>
    %reduce_sum3A_1036 = arith.constant dense<0.000000e+00> : vector<256xf32>
    %reduce_sum3A_1037 = vector.multi_reduction <add>, %add3A_1035, %reduce_sum3A_1036 [0] : vector<8x256xf32> to vector<256xf32>
    %broadcast_in_dim3A_1038 = vector.shape_cast %reduce_sum3A_1037 : vector<256xf32> to vector<1x256xf32>
    %add3A_1039 = arith.addf %add3A_957, %broadcast_in_dim3A_1038 : vector<1x256xf32>
    %not3A_1040 = arith.constant dense<true> : vector<1x256xi1>
    %not3A_1041 = arith.xori %or3A_968, %not3A_1040 : vector<1x256xi1>
    %ge3A_1042 = arith.constant 6.000000e+00 : f32
    %ge3A_1043 = vector.broadcast %ge3A_1042 : f32 to vector<1x256xf32>
    %ge3A_1044 = arith.cmpf oge, %add3A_1039, %ge3A_1043 : vector<1x256xf32>
    %and3A_1045 = arith.andi %not3A_1041, %ge3A_1044 : vector<1x256xi1>
    %select_n3A_1046 = arith.select %and3A_1045, %broadcast_in_dim3A_1006, %select_n3A_964 : vector<1x256xi1>, vector<1x256xf32>
    %ge3A_1047 = arith.constant 6.000000e+00 : f32
    %ge3A_1048 = vector.broadcast %ge3A_1047 : f32 to vector<1x256xf32>
    %ge3A_1049 = arith.cmpf oge, %add3A_1039, %ge3A_1048 : vector<1x256xf32>
    %or3A_1050 = arith.ori %or3A_968, %ge3A_1049 : vector<1x256xi1>
    %eq3A_1051 = vector.broadcast %broadcast_in_dim3A_1006 : vector<1x256xf32> to vector<8x256xf32>
    %eq3A_1052 = arith.cmpf oeq, %select_n3A_973, %eq3A_1051 : vector<8x256xf32>
    %jit3A_1053 = arith.constant 0xFF800000 : f32
    %broadcast_in_dim3A_1054 = vector.broadcast %jit3A_1053 : f32 to vector<8x256xf32>
    %select_n3A_1055 = arith.select %eq3A_1052, %broadcast_in_dim3A_1054, %select_n3A_973 : vector<8x256xi1>, vector<8x256xf32>
    %eq3A_1056 = vector.broadcast %broadcast_in_dim3A_1006 : vector<1x256xf32> to vector<8x256xf32>
    %eq3A_1057 = arith.cmpf oeq, %select_n3A_978, %eq3A_1056 : vector<8x256xf32>
    %jit3A_1058 = arith.constant 0xFF800000 : f32
    %broadcast_in_dim3A_1059 = vector.broadcast %jit3A_1058 : f32 to vector<8x256xf32>
    %select_n3A_1060 = arith.select %eq3A_1057, %broadcast_in_dim3A_1059, %select_n3A_978 : vector<8x256xi1>, vector<8x256xf32>
    %eq3A_1061 = vector.broadcast %broadcast_in_dim3A_1006 : vector<1x256xf32> to vector<8x256xf32>
    %eq3A_1062 = arith.cmpf oeq, %select_n3A_983, %eq3A_1061 : vector<8x256xf32>
    %jit3A_1063 = arith.constant 0xFF800000 : f32
    %broadcast_in_dim3A_1064 = vector.broadcast %jit3A_1063 : f32 to vector<8x256xf32>
    %select_n3A_1065 = arith.select %eq3A_1062, %broadcast_in_dim3A_1064, %select_n3A_983 : vector<8x256xi1>, vector<8x256xf32>
    %eq3A_1066 = vector.broadcast %broadcast_in_dim3A_1006 : vector<1x256xf32> to vector<8x256xf32>
    %eq3A_1067 = arith.cmpf oeq, %select_n3A_988, %eq3A_1066 : vector<8x256xf32>
    %jit3A_1068 = arith.constant 0xFF800000 : f32
    %broadcast_in_dim3A_1069 = vector.broadcast %jit3A_1068 : f32 to vector<8x256xf32>
    %select_n3A_1070 = arith.select %eq3A_1067, %broadcast_in_dim3A_1069, %select_n3A_988 : vector<8x256xi1>, vector<8x256xf32>
    %eq3A_1071 = vector.broadcast %broadcast_in_dim3A_1006 : vector<1x256xf32> to vector<8x256xf32>
    %eq3A_1072 = arith.cmpf oeq, %select_n3A_993, %eq3A_1071 : vector<8x256xf32>
    %jit3A_1073 = arith.constant 0xFF800000 : f32
    %broadcast_in_dim3A_1074 = vector.broadcast %jit3A_1073 : f32 to vector<8x256xf32>
    %select_n3A_1075 = arith.select %eq3A_1072, %broadcast_in_dim3A_1074, %select_n3A_993 : vector<8x256xi1>, vector<8x256xf32>
    %eq3A_1076 = vector.broadcast %broadcast_in_dim3A_1006 : vector<1x256xf32> to vector<8x256xf32>
    %eq3A_1077 = arith.cmpf oeq, %select_n3A_998, %eq3A_1076 : vector<8x256xf32>
    %jit3A_1078 = arith.constant 0xFF800000 : f32
    %broadcast_in_dim3A_1079 = vector.broadcast %jit3A_1078 : f32 to vector<8x256xf32>
    %select_n3A_1080 = arith.select %eq3A_1077, %broadcast_in_dim3A_1079, %select_n3A_998 : vector<8x256xi1>, vector<8x256xf32>
    %max3A_1081 = arith.maximumf %select_n3A_1055, %select_n3A_1060 : vector<8x256xf32>
    %max3A_1082 = arith.maximumf %max3A_1081, %select_n3A_1065 : vector<8x256xf32>
    %max3A_1083 = arith.maximumf %max3A_1082, %select_n3A_1070 : vector<8x256xf32>
    %max3A_1084 = arith.maximumf %max3A_1083, %select_n3A_1075 : vector<8x256xf32>
    %max3A_1085 = arith.maximumf %max3A_1084, %select_n3A_1080 : vector<8x256xf32>
    %reduce_max3A_1086 = arith.constant dense<0xFF800000> : vector<256xf32>
    %reduce_max3A_1087 = vector.multi_reduction <maximumf>, %max3A_1085, %reduce_max3A_1086 [0] : vector<8x256xf32> to vector<256xf32>
    %broadcast_in_dim3A_1088 = vector.shape_cast %reduce_max3A_1087 : vector<256xf32> to vector<1x256xf32>
    %eq3A_1089 = vector.broadcast %broadcast_in_dim3A_1088 : vector<1x256xf32> to vector<8x256xf32>
    %eq3A_1090 = arith.cmpf oeq, %select_n3A_1055, %eq3A_1089 : vector<8x256xf32>
    %convert_element_type3A_1091 = arith.extui %eq3A_1090 : vector<8x256xi1> to vector<8x256xi32>
    %convert_element_type3A_1092 = arith.sitofp %convert_element_type3A_1091 : vector<8x256xi32> to vector<8x256xf32>
    %eq3A_1093 = vector.broadcast %broadcast_in_dim3A_1088 : vector<1x256xf32> to vector<8x256xf32>
    %eq3A_1094 = arith.cmpf oeq, %select_n3A_1060, %eq3A_1093 : vector<8x256xf32>
    %convert_element_type3A_1095 = arith.extui %eq3A_1094 : vector<8x256xi1> to vector<8x256xi32>
    %convert_element_type3A_1096 = arith.sitofp %convert_element_type3A_1095 : vector<8x256xi32> to vector<8x256xf32>
    %add3A_1097 = arith.addf %convert_element_type3A_1092, %convert_element_type3A_1096 : vector<8x256xf32>
    %eq3A_1098 = vector.broadcast %broadcast_in_dim3A_1088 : vector<1x256xf32> to vector<8x256xf32>
    %eq3A_1099 = arith.cmpf oeq, %select_n3A_1065, %eq3A_1098 : vector<8x256xf32>
    %convert_element_type3A_1100 = arith.extui %eq3A_1099 : vector<8x256xi1> to vector<8x256xi32>
    %convert_element_type3A_1101 = arith.sitofp %convert_element_type3A_1100 : vector<8x256xi32> to vector<8x256xf32>
    %add3A_1102 = arith.addf %add3A_1097, %convert_element_type3A_1101 : vector<8x256xf32>
    %eq3A_1103 = vector.broadcast %broadcast_in_dim3A_1088 : vector<1x256xf32> to vector<8x256xf32>
    %eq3A_1104 = arith.cmpf oeq, %select_n3A_1070, %eq3A_1103 : vector<8x256xf32>
    %convert_element_type3A_1105 = arith.extui %eq3A_1104 : vector<8x256xi1> to vector<8x256xi32>
    %convert_element_type3A_1106 = arith.sitofp %convert_element_type3A_1105 : vector<8x256xi32> to vector<8x256xf32>
    %add3A_1107 = arith.addf %add3A_1102, %convert_element_type3A_1106 : vector<8x256xf32>
    %eq3A_1108 = vector.broadcast %broadcast_in_dim3A_1088 : vector<1x256xf32> to vector<8x256xf32>
    %eq3A_1109 = arith.cmpf oeq, %select_n3A_1075, %eq3A_1108 : vector<8x256xf32>
    %convert_element_type3A_1110 = arith.extui %eq3A_1109 : vector<8x256xi1> to vector<8x256xi32>
    %convert_element_type3A_1111 = arith.sitofp %convert_element_type3A_1110 : vector<8x256xi32> to vector<8x256xf32>
    %add3A_1112 = arith.addf %add3A_1107, %convert_element_type3A_1111 : vector<8x256xf32>
    %eq3A_1113 = vector.broadcast %broadcast_in_dim3A_1088 : vector<1x256xf32> to vector<8x256xf32>
    %eq3A_1114 = arith.cmpf oeq, %select_n3A_1080, %eq3A_1113 : vector<8x256xf32>
    %convert_element_type3A_1115 = arith.extui %eq3A_1114 : vector<8x256xi1> to vector<8x256xi32>
    %convert_element_type3A_1116 = arith.sitofp %convert_element_type3A_1115 : vector<8x256xi32> to vector<8x256xf32>
    %add3A_1117 = arith.addf %add3A_1112, %convert_element_type3A_1116 : vector<8x256xf32>
    %reduce_sum3A_1118 = arith.constant dense<0.000000e+00> : vector<256xf32>
    %reduce_sum3A_1119 = vector.multi_reduction <add>, %add3A_1117, %reduce_sum3A_1118 [0] : vector<8x256xf32> to vector<256xf32>
    %broadcast_in_dim3A_1120 = vector.shape_cast %reduce_sum3A_1119 : vector<256xf32> to vector<1x256xf32>
    %add3A_1121 = arith.addf %add3A_1039, %broadcast_in_dim3A_1120 : vector<1x256xf32>
    %not3A_1122 = arith.constant dense<true> : vector<1x256xi1>
    %not3A_1123 = arith.xori %or3A_1050, %not3A_1122 : vector<1x256xi1>
    %ge3A_1124 = arith.constant 6.000000e+00 : f32
    %ge3A_1125 = vector.broadcast %ge3A_1124 : f32 to vector<1x256xf32>
    %ge3A_1126 = arith.cmpf oge, %add3A_1121, %ge3A_1125 : vector<1x256xf32>
    %and3A_1127 = arith.andi %not3A_1123, %ge3A_1126 : vector<1x256xi1>
    %select_n3A_1128 = arith.select %and3A_1127, %broadcast_in_dim3A_1088, %select_n3A_1046 : vector<1x256xi1>, vector<1x256xf32>
    %ge3A_1129 = arith.constant 6.000000e+00 : f32
    %ge3A_1130 = vector.broadcast %ge3A_1129 : f32 to vector<1x256xf32>
    %ge3A_1131 = arith.cmpf oge, %add3A_1121, %ge3A_1130 : vector<1x256xf32>
    %or3A_1132 = arith.ori %or3A_1050, %ge3A_1131 : vector<1x256xi1>
    %eq3A_1133 = vector.broadcast %broadcast_in_dim3A_1088 : vector<1x256xf32> to vector<8x256xf32>
    %eq3A_1134 = arith.cmpf oeq, %select_n3A_1055, %eq3A_1133 : vector<8x256xf32>
    %jit3A_1135 = arith.constant 0xFF800000 : f32
    %broadcast_in_dim3A_1136 = vector.broadcast %jit3A_1135 : f32 to vector<8x256xf32>
    %select_n3A_1137 = arith.select %eq3A_1134, %broadcast_in_dim3A_1136, %select_n3A_1055 : vector<8x256xi1>, vector<8x256xf32>
    %eq3A_1138 = vector.broadcast %broadcast_in_dim3A_1088 : vector<1x256xf32> to vector<8x256xf32>
    %eq3A_1139 = arith.cmpf oeq, %select_n3A_1060, %eq3A_1138 : vector<8x256xf32>
    %jit3A_1140 = arith.constant 0xFF800000 : f32
    %broadcast_in_dim3A_1141 = vector.broadcast %jit3A_1140 : f32 to vector<8x256xf32>
    %select_n3A_1142 = arith.select %eq3A_1139, %broadcast_in_dim3A_1141, %select_n3A_1060 : vector<8x256xi1>, vector<8x256xf32>
    %eq3A_1143 = vector.broadcast %broadcast_in_dim3A_1088 : vector<1x256xf32> to vector<8x256xf32>
    %eq3A_1144 = arith.cmpf oeq, %select_n3A_1065, %eq3A_1143 : vector<8x256xf32>
    %jit3A_1145 = arith.constant 0xFF800000 : f32
    %broadcast_in_dim3A_1146 = vector.broadcast %jit3A_1145 : f32 to vector<8x256xf32>
    %select_n3A_1147 = arith.select %eq3A_1144, %broadcast_in_dim3A_1146, %select_n3A_1065 : vector<8x256xi1>, vector<8x256xf32>
    %eq3A_1148 = vector.broadcast %broadcast_in_dim3A_1088 : vector<1x256xf32> to vector<8x256xf32>
    %eq3A_1149 = arith.cmpf oeq, %select_n3A_1070, %eq3A_1148 : vector<8x256xf32>
    %jit3A_1150 = arith.constant 0xFF800000 : f32
    %broadcast_in_dim3A_1151 = vector.broadcast %jit3A_1150 : f32 to vector<8x256xf32>
    %select_n3A_1152 = arith.select %eq3A_1149, %broadcast_in_dim3A_1151, %select_n3A_1070 : vector<8x256xi1>, vector<8x256xf32>
    %eq3A_1153 = vector.broadcast %broadcast_in_dim3A_1088 : vector<1x256xf32> to vector<8x256xf32>
    %eq3A_1154 = arith.cmpf oeq, %select_n3A_1075, %eq3A_1153 : vector<8x256xf32>
    %jit3A_1155 = arith.constant 0xFF800000 : f32
    %broadcast_in_dim3A_1156 = vector.broadcast %jit3A_1155 : f32 to vector<8x256xf32>
    %select_n3A_1157 = arith.select %eq3A_1154, %broadcast_in_dim3A_1156, %select_n3A_1075 : vector<8x256xi1>, vector<8x256xf32>
    %eq3A_1158 = vector.broadcast %broadcast_in_dim3A_1088 : vector<1x256xf32> to vector<8x256xf32>
    %eq3A_1159 = arith.cmpf oeq, %select_n3A_1080, %eq3A_1158 : vector<8x256xf32>
    %jit3A_1160 = arith.constant 0xFF800000 : f32
    %broadcast_in_dim3A_1161 = vector.broadcast %jit3A_1160 : f32 to vector<8x256xf32>
    %select_n3A_1162 = arith.select %eq3A_1159, %broadcast_in_dim3A_1161, %select_n3A_1080 : vector<8x256xi1>, vector<8x256xf32>
    %max3A_1163 = arith.maximumf %select_n3A_1137, %select_n3A_1142 : vector<8x256xf32>
    %max3A_1164 = arith.maximumf %max3A_1163, %select_n3A_1147 : vector<8x256xf32>
    %max3A_1165 = arith.maximumf %max3A_1164, %select_n3A_1152 : vector<8x256xf32>
    %max3A_1166 = arith.maximumf %max3A_1165, %select_n3A_1157 : vector<8x256xf32>
    %max3A_1167 = arith.maximumf %max3A_1166, %select_n3A_1162 : vector<8x256xf32>
    %reduce_max3A_1168 = arith.constant dense<0xFF800000> : vector<256xf32>
    %reduce_max3A_1169 = vector.multi_reduction <maximumf>, %max3A_1167, %reduce_max3A_1168 [0] : vector<8x256xf32> to vector<256xf32>
    %broadcast_in_dim3A_1170 = vector.shape_cast %reduce_max3A_1169 : vector<256xf32> to vector<1x256xf32>
    %eq3A_1171 = vector.broadcast %broadcast_in_dim3A_1170 : vector<1x256xf32> to vector<8x256xf32>
    %eq3A_1172 = arith.cmpf oeq, %select_n3A_1137, %eq3A_1171 : vector<8x256xf32>
    %convert_element_type3A_1173 = arith.extui %eq3A_1172 : vector<8x256xi1> to vector<8x256xi32>
    %convert_element_type3A_1174 = arith.sitofp %convert_element_type3A_1173 : vector<8x256xi32> to vector<8x256xf32>
    %eq3A_1175 = vector.broadcast %broadcast_in_dim3A_1170 : vector<1x256xf32> to vector<8x256xf32>
    %eq3A_1176 = arith.cmpf oeq, %select_n3A_1142, %eq3A_1175 : vector<8x256xf32>
    %convert_element_type3A_1177 = arith.extui %eq3A_1176 : vector<8x256xi1> to vector<8x256xi32>
    %convert_element_type3A_1178 = arith.sitofp %convert_element_type3A_1177 : vector<8x256xi32> to vector<8x256xf32>
    %add3A_1179 = arith.addf %convert_element_type3A_1174, %convert_element_type3A_1178 : vector<8x256xf32>
    %eq3A_1180 = vector.broadcast %broadcast_in_dim3A_1170 : vector<1x256xf32> to vector<8x256xf32>
    %eq3A_1181 = arith.cmpf oeq, %select_n3A_1147, %eq3A_1180 : vector<8x256xf32>
    %convert_element_type3A_1182 = arith.extui %eq3A_1181 : vector<8x256xi1> to vector<8x256xi32>
    %convert_element_type3A_1183 = arith.sitofp %convert_element_type3A_1182 : vector<8x256xi32> to vector<8x256xf32>
    %add3A_1184 = arith.addf %add3A_1179, %convert_element_type3A_1183 : vector<8x256xf32>
    %eq3A_1185 = vector.broadcast %broadcast_in_dim3A_1170 : vector<1x256xf32> to vector<8x256xf32>
    %eq3A_1186 = arith.cmpf oeq, %select_n3A_1152, %eq3A_1185 : vector<8x256xf32>
    %convert_element_type3A_1187 = arith.extui %eq3A_1186 : vector<8x256xi1> to vector<8x256xi32>
    %convert_element_type3A_1188 = arith.sitofp %convert_element_type3A_1187 : vector<8x256xi32> to vector<8x256xf32>
    %add3A_1189 = arith.addf %add3A_1184, %convert_element_type3A_1188 : vector<8x256xf32>
    %eq3A_1190 = vector.broadcast %broadcast_in_dim3A_1170 : vector<1x256xf32> to vector<8x256xf32>
    %eq3A_1191 = arith.cmpf oeq, %select_n3A_1157, %eq3A_1190 : vector<8x256xf32>
    %convert_element_type3A_1192 = arith.extui %eq3A_1191 : vector<8x256xi1> to vector<8x256xi32>
    %convert_element_type3A_1193 = arith.sitofp %convert_element_type3A_1192 : vector<8x256xi32> to vector<8x256xf32>
    %add3A_1194 = arith.addf %add3A_1189, %convert_element_type3A_1193 : vector<8x256xf32>
    %eq3A_1195 = vector.broadcast %broadcast_in_dim3A_1170 : vector<1x256xf32> to vector<8x256xf32>
    %eq3A_1196 = arith.cmpf oeq, %select_n3A_1162, %eq3A_1195 : vector<8x256xf32>
    %convert_element_type3A_1197 = arith.extui %eq3A_1196 : vector<8x256xi1> to vector<8x256xi32>
    %convert_element_type3A_1198 = arith.sitofp %convert_element_type3A_1197 : vector<8x256xi32> to vector<8x256xf32>
    %add3A_1199 = arith.addf %add3A_1194, %convert_element_type3A_1198 : vector<8x256xf32>
    %reduce_sum3A_1200 = arith.constant dense<0.000000e+00> : vector<256xf32>
    %reduce_sum3A_1201 = vector.multi_reduction <add>, %add3A_1199, %reduce_sum3A_1200 [0] : vector<8x256xf32> to vector<256xf32>
    %broadcast_in_dim3A_1202 = vector.shape_cast %reduce_sum3A_1201 : vector<256xf32> to vector<1x256xf32>
    %add3A_1203 = arith.addf %add3A_1121, %broadcast_in_dim3A_1202 : vector<1x256xf32>
    %not3A_1204 = arith.constant dense<true> : vector<1x256xi1>
    %not3A_1205 = arith.xori %or3A_1132, %not3A_1204 : vector<1x256xi1>
    %ge3A_1206 = arith.constant 6.000000e+00 : f32
    %ge3A_1207 = vector.broadcast %ge3A_1206 : f32 to vector<1x256xf32>
    %ge3A_1208 = arith.cmpf oge, %add3A_1203, %ge3A_1207 : vector<1x256xf32>
    %and3A_1209 = arith.andi %not3A_1205, %ge3A_1208 : vector<1x256xi1>
    %select_n3A_1210 = arith.select %and3A_1209, %broadcast_in_dim3A_1170, %select_n3A_1128 : vector<1x256xi1>, vector<1x256xf32>
    %ge3A_1211 = arith.constant 6.000000e+00 : f32
    %ge3A_1212 = vector.broadcast %ge3A_1211 : f32 to vector<1x256xf32>
    %ge3A_1213 = arith.cmpf oge, %add3A_1203, %ge3A_1212 : vector<1x256xf32>
    %or3A_1214 = arith.ori %or3A_1132, %ge3A_1213 : vector<1x256xi1>
    %eq3A_1215 = vector.broadcast %broadcast_in_dim3A_1170 : vector<1x256xf32> to vector<8x256xf32>
    %eq3A_1216 = arith.cmpf oeq, %select_n3A_1137, %eq3A_1215 : vector<8x256xf32>
    %jit3A_1217 = arith.constant 0xFF800000 : f32
    %broadcast_in_dim3A_1218 = vector.broadcast %jit3A_1217 : f32 to vector<8x256xf32>
    %select_n3A_1219 = arith.select %eq3A_1216, %broadcast_in_dim3A_1218, %select_n3A_1137 : vector<8x256xi1>, vector<8x256xf32>
    %eq3A_1220 = vector.broadcast %broadcast_in_dim3A_1170 : vector<1x256xf32> to vector<8x256xf32>
    %eq3A_1221 = arith.cmpf oeq, %select_n3A_1142, %eq3A_1220 : vector<8x256xf32>
    %jit3A_1222 = arith.constant 0xFF800000 : f32
    %broadcast_in_dim3A_1223 = vector.broadcast %jit3A_1222 : f32 to vector<8x256xf32>
    %select_n3A_1224 = arith.select %eq3A_1221, %broadcast_in_dim3A_1223, %select_n3A_1142 : vector<8x256xi1>, vector<8x256xf32>
    %eq3A_1225 = vector.broadcast %broadcast_in_dim3A_1170 : vector<1x256xf32> to vector<8x256xf32>
    %eq3A_1226 = arith.cmpf oeq, %select_n3A_1147, %eq3A_1225 : vector<8x256xf32>
    %jit3A_1227 = arith.constant 0xFF800000 : f32
    %broadcast_in_dim3A_1228 = vector.broadcast %jit3A_1227 : f32 to vector<8x256xf32>
    %select_n3A_1229 = arith.select %eq3A_1226, %broadcast_in_dim3A_1228, %select_n3A_1147 : vector<8x256xi1>, vector<8x256xf32>
    %eq3A_1230 = vector.broadcast %broadcast_in_dim3A_1170 : vector<1x256xf32> to vector<8x256xf32>
    %eq3A_1231 = arith.cmpf oeq, %select_n3A_1152, %eq3A_1230 : vector<8x256xf32>
    %jit3A_1232 = arith.constant 0xFF800000 : f32
    %broadcast_in_dim3A_1233 = vector.broadcast %jit3A_1232 : f32 to vector<8x256xf32>
    %select_n3A_1234 = arith.select %eq3A_1231, %broadcast_in_dim3A_1233, %select_n3A_1152 : vector<8x256xi1>, vector<8x256xf32>
    %eq3A_1235 = vector.broadcast %broadcast_in_dim3A_1170 : vector<1x256xf32> to vector<8x256xf32>
    %eq3A_1236 = arith.cmpf oeq, %select_n3A_1157, %eq3A_1235 : vector<8x256xf32>
    %jit3A_1237 = arith.constant 0xFF800000 : f32
    %broadcast_in_dim3A_1238 = vector.broadcast %jit3A_1237 : f32 to vector<8x256xf32>
    %select_n3A_1239 = arith.select %eq3A_1236, %broadcast_in_dim3A_1238, %select_n3A_1157 : vector<8x256xi1>, vector<8x256xf32>
    %eq3A_1240 = vector.broadcast %broadcast_in_dim3A_1170 : vector<1x256xf32> to vector<8x256xf32>
    %eq3A_1241 = arith.cmpf oeq, %select_n3A_1162, %eq3A_1240 : vector<8x256xf32>
    %jit3A_1242 = arith.constant 0xFF800000 : f32
    %broadcast_in_dim3A_1243 = vector.broadcast %jit3A_1242 : f32 to vector<8x256xf32>
    %select_n3A_1244 = arith.select %eq3A_1241, %broadcast_in_dim3A_1243, %select_n3A_1162 : vector<8x256xi1>, vector<8x256xf32>
    %max3A_1245 = arith.maximumf %select_n3A_1219, %select_n3A_1224 : vector<8x256xf32>
    %max3A_1246 = arith.maximumf %max3A_1245, %select_n3A_1229 : vector<8x256xf32>
    %max3A_1247 = arith.maximumf %max3A_1246, %select_n3A_1234 : vector<8x256xf32>
    %max3A_1248 = arith.maximumf %max3A_1247, %select_n3A_1239 : vector<8x256xf32>
    %max3A_1249 = arith.maximumf %max3A_1248, %select_n3A_1244 : vector<8x256xf32>
    %reduce_max3A_1250 = arith.constant dense<0xFF800000> : vector<256xf32>
    %reduce_max3A_1251 = vector.multi_reduction <maximumf>, %max3A_1249, %reduce_max3A_1250 [0] : vector<8x256xf32> to vector<256xf32>
    %broadcast_in_dim3A_1252 = vector.shape_cast %reduce_max3A_1251 : vector<256xf32> to vector<1x256xf32>
    %eq3A_1253 = vector.broadcast %broadcast_in_dim3A_1252 : vector<1x256xf32> to vector<8x256xf32>
    %eq3A_1254 = arith.cmpf oeq, %select_n3A_1219, %eq3A_1253 : vector<8x256xf32>
    %convert_element_type3A_1255 = arith.extui %eq3A_1254 : vector<8x256xi1> to vector<8x256xi32>
    %convert_element_type3A_1256 = arith.sitofp %convert_element_type3A_1255 : vector<8x256xi32> to vector<8x256xf32>
    %eq3A_1257 = vector.broadcast %broadcast_in_dim3A_1252 : vector<1x256xf32> to vector<8x256xf32>
    %eq3A_1258 = arith.cmpf oeq, %select_n3A_1224, %eq3A_1257 : vector<8x256xf32>
    %convert_element_type3A_1259 = arith.extui %eq3A_1258 : vector<8x256xi1> to vector<8x256xi32>
    %convert_element_type3A_1260 = arith.sitofp %convert_element_type3A_1259 : vector<8x256xi32> to vector<8x256xf32>
    %add3A_1261 = arith.addf %convert_element_type3A_1256, %convert_element_type3A_1260 : vector<8x256xf32>
    %eq3A_1262 = vector.broadcast %broadcast_in_dim3A_1252 : vector<1x256xf32> to vector<8x256xf32>
    %eq3A_1263 = arith.cmpf oeq, %select_n3A_1229, %eq3A_1262 : vector<8x256xf32>
    %convert_element_type3A_1264 = arith.extui %eq3A_1263 : vector<8x256xi1> to vector<8x256xi32>
    %convert_element_type3A_1265 = arith.sitofp %convert_element_type3A_1264 : vector<8x256xi32> to vector<8x256xf32>
    %add3A_1266 = arith.addf %add3A_1261, %convert_element_type3A_1265 : vector<8x256xf32>
    %eq3A_1267 = vector.broadcast %broadcast_in_dim3A_1252 : vector<1x256xf32> to vector<8x256xf32>
    %eq3A_1268 = arith.cmpf oeq, %select_n3A_1234, %eq3A_1267 : vector<8x256xf32>
    %convert_element_type3A_1269 = arith.extui %eq3A_1268 : vector<8x256xi1> to vector<8x256xi32>
    %convert_element_type3A_1270 = arith.sitofp %convert_element_type3A_1269 : vector<8x256xi32> to vector<8x256xf32>
    %add3A_1271 = arith.addf %add3A_1266, %convert_element_type3A_1270 : vector<8x256xf32>
    %eq3A_1272 = vector.broadcast %broadcast_in_dim3A_1252 : vector<1x256xf32> to vector<8x256xf32>
    %eq3A_1273 = arith.cmpf oeq, %select_n3A_1239, %eq3A_1272 : vector<8x256xf32>
    %convert_element_type3A_1274 = arith.extui %eq3A_1273 : vector<8x256xi1> to vector<8x256xi32>
    %convert_element_type3A_1275 = arith.sitofp %convert_element_type3A_1274 : vector<8x256xi32> to vector<8x256xf32>
    %add3A_1276 = arith.addf %add3A_1271, %convert_element_type3A_1275 : vector<8x256xf32>
    %eq3A_1277 = vector.broadcast %broadcast_in_dim3A_1252 : vector<1x256xf32> to vector<8x256xf32>
    %eq3A_1278 = arith.cmpf oeq, %select_n3A_1244, %eq3A_1277 : vector<8x256xf32>
    %convert_element_type3A_1279 = arith.extui %eq3A_1278 : vector<8x256xi1> to vector<8x256xi32>
    %convert_element_type3A_1280 = arith.sitofp %convert_element_type3A_1279 : vector<8x256xi32> to vector<8x256xf32>
    %add3A_1281 = arith.addf %add3A_1276, %convert_element_type3A_1280 : vector<8x256xf32>
    %reduce_sum3A_1282 = arith.constant dense<0.000000e+00> : vector<256xf32>
    %reduce_sum3A_1283 = vector.multi_reduction <add>, %add3A_1281, %reduce_sum3A_1282 [0] : vector<8x256xf32> to vector<256xf32>
    %broadcast_in_dim3A_1284 = vector.shape_cast %reduce_sum3A_1283 : vector<256xf32> to vector<1x256xf32>
    %add3A_1285 = arith.addf %add3A_1203, %broadcast_in_dim3A_1284 : vector<1x256xf32>
    %not3A_1286 = arith.constant dense<true> : vector<1x256xi1>
    %not3A_1287 = arith.xori %or3A_1214, %not3A_1286 : vector<1x256xi1>
    %ge3A_1288 = arith.constant 6.000000e+00 : f32
    %ge3A_1289 = vector.broadcast %ge3A_1288 : f32 to vector<1x256xf32>
    %ge3A_1290 = arith.cmpf oge, %add3A_1285, %ge3A_1289 : vector<1x256xf32>
    %and3A_1291 = arith.andi %not3A_1287, %ge3A_1290 : vector<1x256xi1>
    %select_n3A_1292 = arith.select %and3A_1291, %broadcast_in_dim3A_1252, %select_n3A_1210 : vector<1x256xi1>, vector<1x256xf32>
    %gt3A = vector.broadcast %select_n3A_1292 : vector<1x256xf32> to vector<8x256xf32>
    %gt3A_1293 = arith.cmpf ogt, %max3A_823, %gt3A : vector<8x256xf32>
    %convert_element_type3A_1294 = arith.extui %gt3A_1293 : vector<8x256xi1> to vector<8x256xi32>
    %convert_element_type3A_1295 = arith.sitofp %convert_element_type3A_1294 : vector<8x256xi32> to vector<8x256xf32>
    %gt3A_1296 = vector.broadcast %select_n3A_1292 : vector<1x256xf32> to vector<8x256xf32>
    %gt3A_1297 = arith.cmpf ogt, %max3A_825, %gt3A_1296 : vector<8x256xf32>
    %convert_element_type3A_1298 = arith.extui %gt3A_1297 : vector<8x256xi1> to vector<8x256xi32>
    %convert_element_type3A_1299 = arith.sitofp %convert_element_type3A_1298 : vector<8x256xi32> to vector<8x256xf32>
    %add3A_1300 = arith.addf %convert_element_type3A_1295, %convert_element_type3A_1299 : vector<8x256xf32>
    %gt3A_1301 = vector.broadcast %select_n3A_1292 : vector<1x256xf32> to vector<8x256xf32>
    %gt3A_1302 = arith.cmpf ogt, %max3A_827, %gt3A_1301 : vector<8x256xf32>
    %convert_element_type3A_1303 = arith.extui %gt3A_1302 : vector<8x256xi1> to vector<8x256xi32>
    %convert_element_type3A_1304 = arith.sitofp %convert_element_type3A_1303 : vector<8x256xi32> to vector<8x256xf32>
    %add3A_1305 = arith.addf %add3A_1300, %convert_element_type3A_1304 : vector<8x256xf32>
    %gt3A_1306 = vector.broadcast %select_n3A_1292 : vector<1x256xf32> to vector<8x256xf32>
    %gt3A_1307 = arith.cmpf ogt, %max3A_829, %gt3A_1306 : vector<8x256xf32>
    %convert_element_type3A_1308 = arith.extui %gt3A_1307 : vector<8x256xi1> to vector<8x256xi32>
    %convert_element_type3A_1309 = arith.sitofp %convert_element_type3A_1308 : vector<8x256xi32> to vector<8x256xf32>
    %add3A_1310 = arith.addf %add3A_1305, %convert_element_type3A_1309 : vector<8x256xf32>
    %gt3A_1311 = vector.broadcast %select_n3A_1292 : vector<1x256xf32> to vector<8x256xf32>
    %gt3A_1312 = arith.cmpf ogt, %max3A_831, %gt3A_1311 : vector<8x256xf32>
    %convert_element_type3A_1313 = arith.extui %gt3A_1312 : vector<8x256xi1> to vector<8x256xi32>
    %convert_element_type3A_1314 = arith.sitofp %convert_element_type3A_1313 : vector<8x256xi32> to vector<8x256xf32>
    %add3A_1315 = arith.addf %add3A_1310, %convert_element_type3A_1314 : vector<8x256xf32>
    %gt3A_1316 = vector.broadcast %select_n3A_1292 : vector<1x256xf32> to vector<8x256xf32>
    %gt3A_1317 = arith.cmpf ogt, %max3A_833, %gt3A_1316 : vector<8x256xf32>
    %convert_element_type3A_1318 = arith.extui %gt3A_1317 : vector<8x256xi1> to vector<8x256xi32>
    %convert_element_type3A_1319 = arith.sitofp %convert_element_type3A_1318 : vector<8x256xi32> to vector<8x256xf32>
    %add3A_1320 = arith.addf %add3A_1315, %convert_element_type3A_1319 : vector<8x256xf32>
    %reduce_sum3A_1321 = arith.constant dense<0.000000e+00> : vector<256xf32>
    %reduce_sum3A_1322 = vector.multi_reduction <add>, %add3A_1320, %reduce_sum3A_1321 [0] : vector<8x256xf32> to vector<256xf32>
    %broadcast_in_dim3A_1323 = vector.shape_cast %reduce_sum3A_1322 : vector<256xf32> to vector<1x256xf32>
    %reduce_max3A_1324 = arith.constant dense<0xFF800000> : vector<256xf32>
    %reduce_max3A_1325 = vector.multi_reduction <maximumf>, %select_n3A_837, %reduce_max3A_1324 [0] : vector<8x256xf32> to vector<256xf32>
    %broadcast_in_dim3A_1326 = vector.shape_cast %reduce_max3A_1325 : vector<256xf32> to vector<1x256xf32>
    %gt3A_1327 = arith.cmpf ogt, %broadcast_in_dim3A_1326, %select_n3A_1292 : vector<1x256xf32>
    %convert_element_type3A_1328 = arith.extui %gt3A_1327 : vector<1x256xi1> to vector<1x256xi32>
    %convert_element_type3A_1329 = arith.sitofp %convert_element_type3A_1328 : vector<1x256xi32> to vector<1x256xf32>
    %add3A_1330 = arith.constant 1.000000e+00 : f32
    %add3A_1331 = vector.broadcast %add3A_1330 : f32 to vector<1x256xf32>
    %add3A_1332 = arith.addf %broadcast_in_dim3A_1323, %add3A_1331 : vector<1x256xf32>
    %sub3A_1333 = arith.subf %add3A_1332, %convert_element_type3A_1329 : vector<1x256xf32>
    %div3A = arith.divf %convert_element_type3A_1329, %sub3A_1333 : vector<1x256xf32>
    %eq3A_1334 = arith.constant 0 : i32
    %eq3A_1335 = arith.cmpi eq, %arg0, %eq3A_1334 : i32
    %convert_element_type3A_1336 = arith.extui %eq3A_1335 : i1 to i32
    %cond3A = arith.constant 0 : i32
    %cond3A_1337 = arith.cmpi ne, %convert_element_type3A_1336, %cond3A : i32
    scf.if %cond3A_1337 {
      %broadcast_in_dim3A_1344 = arith.constant 0.000000e+00 : f32
      %broadcast_in_dim3A_1345 = vector.broadcast %broadcast_in_dim3A_1344 : f32 to vector<1x256xf32>
      %swap3A_1346 = arith.constant 0 : index
      %swap3A_1347 = arith.constant 0 : index
      %swap3A_1348 = vector.load %arg3[%swap3A_1346, %swap3A_1347] : memref<1x256xf32, #tpu.memory_space<vmem>>, vector<1x256xf32>
      tpu.vector_store %arg3[%swap3A_1346, %swap3A_1347], %broadcast_in_dim3A_1345 {strides = array<i32>} : memref<1x256xf32, #tpu.memory_space<vmem>>, vector<1x256xf32>,
    } else {
    }
    %get3A_1338 = arith.constant 0 : index
    %get3A_1339 = arith.constant 0 : index
    %get3A_1340 = vector.load %arg3[%get3A_1338, %get3A_1339] : memref<1x256xf32, #tpu.memory_space<vmem>>, vector<1x256xf32>
    %add3A_1341 = arith.addf %get3A_1340, %div3A : vector<1x256xf32>
    %swap3A = arith.constant 0 : index
    %swap3A_1342 = arith.constant 0 : index
    %swap3A_1343 = vector.load %arg3[%swap3A, %swap3A_1342] : memref<1x256xf32, #tpu.memory_space<vmem>>, vector<1x256xf32>
    tpu.vector_store %arg3[%swap3A, %swap3A_1342], %add3A_1341 {strides = array<i32>} : memref<1x256xf32, #tpu.memory_space<vmem>>, vector<1x256xf32>,
    return
  }
  func.func @transform_0(%arg0: i32) -> (i32, i32, i32) {
    %add3A = arith.constant 32 : i32
    %add3A_0 = arith.addi %arg0, %add3A : i32
    %c0_i32 = arith.constant 0 : i32
    %c0_i32_1 = arith.constant 0 : i32
    %c0_i32_2 = arith.constant 0 : i32
    return %add3A_0, %c0_i32, %c0_i32_1 : i32, i32, i32
  }
  func.func @transform_1(%arg0: i32) -> (i32, i32) {
    %add3A = arith.constant 32 : i32
    %add3A_0 = arith.addi %arg0, %add3A : i32
    %c0_i32 = arith.constant 0 : i32
    %c0_i32_1 = arith.constant 0 : i32
    return %c0_i32, %add3A_0 : i32, i32
  }
  func.func @transform_2(%arg0: i32) -> (i32, i32) {
    %c0_i32 = arith.constant 0 : i32
    %c0_i32_0 = arith.constant 0 : i32
    %c0_i32_1 = arith.constant 0 : i32
    return %c0_i32, %c0_i32_0 : i32, i32
  }
}

</mosaic_0001>

<sc_bundles>
// kernel: kernel.4.cloned.1.call-start
scs
__scs_entry_jumppad:
0x0: {  	(pc) =	sbr.rel $0x88, $3  }
0x1: {  	(tag) =	ssettag $0x0;
	lr =	simm.s32 $0x1  }
0x2: {  	[smem:$0x3F9F] =	sst lr;
	_ =	strace $0xD0000000  }
0x3: {  	_ = 	snop  }
0x4: {  	_ = 	snop  }
0x5: {  	_ = 	snop  }
0x6: {  	_ = 	snop  }
0x7: {  	_ = 	snop  }
__scs_overlays_trampoline_lowered:
0x8: {  	[smem:$0x3FAE] =	sst s0  }
0x9: {  	[smem:$0x3FAF] =	sst s1  }
0xa: {  	[smem:$0x3FB0] =	sst s2  }
0xb: {  	[smem:$0x3FB1] =	sst s3  }
0xc: {  	[smem:$0x3FB2] =	sst s4  }
0xd: {  	[smem:$0x3FB3] =	sst s5  }
0xe: {  	[smem:$0x3FB4] =	sst s6  }
0xf: {  	[smem:$0x3FB5] =	sst s7  }
0x10: {  	[smem:$0x3FB6] =	sst s8  }
0x11: {  	[smem:$0x3FB7] =	sst s9;
	s0 =	simm.s32 @!p0 $0x0  }
0x12: {  	s1 =	sld [smem:$0x3F9D];
	s0 =	simm.s32 @p0 $0x1  }
0x13: {  	[smem:$0x3FB8] =	sst s0;
	s0 =	simm.s32 @!p1 $0x0  }
0x14: {  	s2 =	sld [smem:$0x3F9C];
	s0 =	simm.s32 @p1 $0x1  }
0x15: {  	[smem:$0x3FB9] =	sst s0;
	s0 =	simm.s32 @!p2 $0x0  }
0x16: {  	s3 =	sld [smem:$0x3FDB];
	s0 =	simm.s32 @p2 $0x1  }
0x17: {  	s4 =	simm.s32 $0x1BF5;
	[smem:$0x3FBB] =	sst s0  }
0x18: {  	s0 =	sld [smem:$0x3F9E];
	_ =	swait.ge [sflag:s4], $0x0  }
0x19: {  	s7 =	sld [smem:$0x3F9F]  }
0x1a: {  	s8 =	sadd.s32 $0xFFFFE003, lr  }
0x1b: {  	s9 =	sadd.s32 $0xFFFFFEF7, lr;
	s5 =	simm.s32 $0xFFFFFFFF;
	p2 =	slt.u32 s8, $0xFFFFF086  }
0x1c: {  	p1 =	slt.u32 s9, $0xF7A;
	s5 =	simm.s32 @!p2 $0x0  }
0x1d: {  	s5 =	simm.s32 @p1 $0x1;
	p0 =	seq.s32 s7, s2  }
0x1e: {  	s7 =	smul.u32 @!p0 $0xF7A, s2;
	p2 =	seq.s32 @!p0 s5, $0x0  }
0x1f: {  	s9 =	smul.u32 $0xF7A, s1;
	s8 =	simm.s32 @!p0 $0x1BF5;
	p2 =	por !p2, p0  }
0x20: {  	[sflag:s8] =	ssyncset.s32 @!p0 $0xFFFFF086;
	s6 =	sadd.s32 @!p0 s3, s7;
	s7 =	simm.s32 @!p0 $0x108  }
0x21: {  	s3 =	sadd.s32 s3, s9;
	s6 =	sadd.s32 @!p0 $0x88, s6;
	s7 =	simm.s32 @p2 $0x1082  }
0x22: {  	[simem:s7], [sflag:s8] =	dma.local @!p0 [hbm:s6], $0xF7A  }
0x23: {  	s9 =	sor.u32 $0xD0000000, s2;
	s6 =	simm.s32 $0x108;
	_ =	swait.ge @!p0 [sflag:s8], $0x0  }
0x24: {  	s3 =	sadd.s32 $0x88, s3;
	s6 =	simm.s32 @!p1 $0x1082;
	[sflag:s4] =	ssyncset.s32 $0xFFFFF086  }
0x25: {  	[simem:s6], [sflag:s4] =	dma.local [hbm:s3], $0xF7A  }
0x26: {  	[smem:$0x3F9F] =	sst s1;
	(tag) =	ssettag s2;
	_ =	strace s9  }
0x27: {  	s1 =	sld [smem:$0x3FAF]  }
0x28: {  	s2 =	sld [smem:$0x3FB0]  }
0x29: {  	s4 =	sld [smem:$0x3FB2]  }
0x2a: {  	p0 =	seq.s32 s5, $0x0;
	s5 =	sld [smem:$0x3FB3]  }
0x2b: {  	s6 =	sld [smem:$0x3FB4]  }
0x2c: {  	s7 =	sld [smem:$0x3FB5]  }
0x2d: {  	s3 =	simm.s32 $0x108;
	s8 =	sld [smem:$0x3FB6]  }
0x2e: {  	s3 =	simm.s32 @!p0 $0x1082;
	s9 =	sld [smem:$0x3FB7]  }
0x2f: {  	lr =	sadd.s32 s0, s3;
	s0 =	sld [smem:$0x3FAE]  }
0x30: {  	s3 =	sld [smem:$0x3FB1]  }
0x31: {  	[smem:$0x3FBA] =	sst s10  }
0x32: {  	s10 =	sld [smem:$0x3FB8];
	_ =	sdelay $0x3  }
0x33: {  	p0 =	seq.s32 s10, $0x1;
	s10 =	sld [smem:$0x3FBA];
	_ =	sdelay $0x3  }
0x34: {  	[smem:$0x3FBA] =	sst s10  }
0x35: {  	s10 =	sld [smem:$0x3FB9];
	_ =	sdelay $0x3  }
0x36: {  	p1 =	seq.s32 s10, $0x1;
	s10 =	sld [smem:$0x3FBA];
	_ =	sdelay $0x3  }
0x37: {  	[smem:$0x3FBA] =	sst s10  }
0x38: {  	s10 =	sld [smem:$0x3FBB]  }
0x39: {  	_ = 	snop;
	(pc) =	sbr.ind lr, $3  }
0x3a: {  	_ = 	snop  }
0x3b: {  	_ = 	snop  }
0x3c: {  	p2 =	seq.s32 s10, $0x1;
	s10 =	sld [smem:$0x3FBA]  }
0x3d: {  	_ =	shalt  }
0x3e: {  	_ =	shalt  }
0x3f: {  	_ =	shalt  }
0x40: {  	_ =	shalt  }
0x41: {  	_ =	shalt  }
0x42: {  	_ =	shalt  }
0x43: {  	_ =	shalt  }
0x44: {  	_ =	shalt  }
0x45: {  	_ =	shalt  }
0x46: {  	_ =	shalt  }
0x47: {  	_ =	shalt  }
0x48: {  	_ =	shalt  }
0x49: {  	_ =	shalt  }
0x4a: {  	_ =	shalt  }
0x4b: {  	_ =	shalt  }
0x4c: {  	_ =	shalt  }
0x4d: {  	_ =	shalt  }
0x4e: {  	_ =	shalt  }
0x4f: {  	_ =	shalt  }
0x50: {  	_ =	shalt  }
0x51: {  	_ =	shalt  }
0x52: {  	_ =	shalt  }
0x53: {  	_ =	shalt  }
0x54: {  	_ =	shalt  }
0x55: {  	_ =	shalt  }
0x56: {  	_ =	shalt  }
0x57: {  	_ =	shalt  }
0x58: {  	_ =	shalt  }
0x59: {  	_ =	shalt  }
0x5a: {  	_ =	shalt  }
0x5b: {  	_ =	shalt  }
0x5c: {  	_ =	shalt  }
0x5d: {  	_ =	shalt  }
0x5e: {  	_ =	shalt  }
0x5f: {  	_ =	shalt  }
0x60: {  	_ =	shalt  }
0x61: {  	_ =	shalt  }
0x62: {  	_ =	shalt  }
0x63: {  	_ =	shalt  }
0x64: {  	_ =	shalt  }
0x65: {  	_ =	shalt  }
0x66: {  	_ =	shalt  }
0x67: {  	_ =	shalt  }
0x68: {  	_ =	shalt  }
0x69: {  	_ =	shalt  }
0x6a: {  	_ =	shalt  }
0x6b: {  	_ =	shalt  }
0x6c: {  	_ =	shalt  }
0x6d: {  	_ =	shalt  }
0x6e: {  	_ =	shalt  }
0x6f: {  	_ =	shalt  }
0x70: {  	_ =	shalt  }
0x71: {  	_ =	shalt  }
0x72: {  	_ =	shalt  }
0x73: {  	_ =	shalt  }
0x74: {  	_ =	shalt  }
0x75: {  	_ =	shalt  }
0x76: {  	_ =	shalt  }
0x77: {  	_ =	shalt  }
0x78: {  	_ =	shalt  }
0x79: {  	_ =	shalt  }
0x7a: {  	_ =	shalt  }
0x7b: {  	_ =	shalt  }
0x7c: {  	_ =	shalt  }
0x7d: {  	_ =	shalt  }
0x7e: {  	_ =	shalt  }
0x7f: {  	_ =	shalt  }
0x80: {  	_ =	shalt  }
0x81: {  	_ =	shalt  }
0x82: {  	_ =	shalt  }
0x83: {  	_ =	shalt  }
0x84: {  	_ =	shalt  }
0x85: {  	_ =	shalt  }
0x86: {  	_ =	shalt  }
0x87: {  	_ =	shalt  }
.Lfunc_end0:
.L_simem_size_0:
called_computation_lowered:
.L_overlay_start_0:
0x88: {  	s2 =	sld [smem:$0x3FD9]  }
0x89: {  	s3 =	sld [smem:$0x3FFE];
	_ =	sdelay $0x1  }
0x8a: {  	s1 =	srdreg.scid  }
0x8b: {  	s0 =	sand.u32 $0x1, s1  }
0x8c: {  	s17 =	sshll.u32 s0, $0xA;
	s2 =	sadd.s32 s3, s2  }
0x8d: {  	s2 =	sadd.s32 s2, s17  }
0x8e: {  	[smem:$0x3FC6] =	sst s2  }
0x8f: {  	_ = 	snop  }
0x90: {  	s2 =	sld [smem:$0x3FC9]  }
0x91: {  	s18 =	sld [smem:$0x3FC8];
	(tm) =	ssettm $0x1  }
0x92: {  	s4 =	sld [smem:$0x3FFB];
	_ =	sdelay $0x3  }
0x93: {  	_ =	strace s4  }
0x94: {  	s4 =	sld [smem:$0x3FFC];
	_ =	sdelay $0x3  }
0x95: {  	_ =	strace s4  }
0x96: {  	s4 =	sld [smem:$0x3FFD];
	_ =	sdelay $0x3  }
0x97: {  	_ =	strace s4  }
0x98: {  	_ =	strace $0x8FFFFFFF  }
0x99: {  	s19 =	sld [smem:$0x3FDB];
	_ =	sdelay $0x1  }
0x9a: {  	s5 =	simm.s32 $_scs_section_size  }
0x9b: {  	s6 =	simm.s32 $_size__tile_overlayer_lowered;
	s7 =	simm.s32 $_tile_overlayer_lowered  }
0x9c: {  	s22 =	simm.s32 $0x1BFF;
	s21 =	sshll.u32 s7, $0x1;
	s4 =	sadd.s32 s5, s19  }
0x9d: {  	s8 =	simm.s32 $0x0;
	s20 =	sshll.u32 s6, $0x1;
	s6 =	sadd.s32 s21, s4  }
0x9e: {  	[timem:s8], [sflag:s22] =	dma.local [hbm:s6], s20  }
0x9f: {  	_ =	swait.ge [sflag:s22], s20  }
0xa0: {  	s5 =	ssub.s32 $0x0, s20;
	[sflag:s22] =	ssyncset.done $0x0  }
0xa1: {  	[sflag:s22] =	ssyncadd.s32 s5;
	_ =	sdelay $0x1  }
0xa2: {  	s23 =	simm.s32 $0x1B8B  }
0xa3: {  	_ =	swait.ge [sflag:s23], $0x1  }
0xa4: {  	[sflag:s23] =	ssyncset.done $0x0  }
0xa5: {  	s25 =	simm.s32 $0x1B8E;
	s24 =	sld [smem:$0x3FFE];
	[sflag:s23] =	ssyncadd.s32 $0xFFFFFFFF  }
0xa6: {  	s26 =	simm.s32 $execute0_lowered;
	[smem:$0x3FD2] =	sst s25  }
0xa7: {  	s6 =	sshll.u32 s26, $0x1;
	_ =	strace $0x80000046;
	[dreg:$0x1] =	wrdreg $0xFFFFFFFF  }
0xa8: {  	s28 =	simm.s32 $_size_execute0_lowered;
	s4 =	sadd.s32 s4, s6;
	[dreg:$0x0] =	wrdreg $0x0  }
0xa9: {  	s6 =	sshll.u32 s28, $0x1;
	[dreg:$0x2] =	wrdreg s4  }
0xaa: {  	[dreg:$0x3] =	wrdreg s6  }
0xab: {  	[dreg:$0x4] =	wrdreg $0xC0  }
0xac: {  	_ =	task [dreg:s8], $0x5FFFF  }
0xad: {  	[dreg:$0x1] =	wrdreg $0xFFFFFFFF  }
0xae: {  	[dreg:$0x0] =	wrdreg $0x60  }
0xaf: {  	[dreg:$0x2] =	wrdreg s2  }
0xb0: {  	[dreg:$0x3] =	wrdreg s18  }
0xb1: {  	[dreg:$0x4] =	wrdreg s24  }
0xb2: {  	[dreg:$0x5] =	wrdreg $0x9  }
0xb3: {  	_ =	task.clear_ibuf [dreg:s8], $0x6FFFF;
	_ =	strace $0x90000046  }
0xb4: {  	s29 =	simm.s32 $0x9;
	_ =	strace $0x80000048  }
0xb5: {  	_ =	swait.ge [sflag:s29], $0x1  }
0xb6: {  	[sflag:s29] =	ssyncadd.s32 $0xFFFFFFFF  }
0xb7: {  	_ =	strace $0x90000048  }
0xb8: {  	_ =	sfence  }
0xb9: {  	s30 =	sld [smem:$0x0];
	_ =	sdelay $0x2  }
0xba: {  	s31 =	sshll.u32 s1, $0xD;
	s1 =	sshrl.u32 s1, $0x2  }
0xbb: {  	s3 =	sand.u32 $0x4000, s31;
	s1 =	sadd.s32 s1, s30  }
0xbc: {  	s0 =	sor.u32 s3, s0;
	s1 =	sshll.u32 s1, $0x11  }
0xbd: {  	s0 =	sor.u32 s1, s0  }
0xbe: {  	s0 =	sadd.s32 $0x8F2B, s0  }
0xbf: {  	[sflag:s0] =	ssyncadd.remote.s32 $0x1  }
0xc0: {  	_ =	sfence.sel $0xFFFF  }
0xc1: {  	[dreg:$0x0] =	wrdreg $0xFFFFFFFF;
	(pc) =	sbr.abs _section_cstart, $3  }
0xc2: {  	[dreg:$0x1] =	wrdreg $0xFFFFFFFF  }
0xc3: {  	_ =	task.clear_ibuf [dreg:s8], $0x2FFFF;
	_ =	strace $0x9FFFFFFF  }
0xc4: {  	(tm) =	ssettm $0x7FFFFFFF  }
0xc5: {  	_ =	shalt  }
tec
execute0_lowered:
.L_overlay_start_1:
0x0: {  	(tag) =	ssettag $0x1  }
0x1: {  	s4 =	rddreg [dreg:$0x0]  }
0x2: {  	s3 =	rddreg [dreg:$0x1]  }
0x3: {  	s6 =	rddreg [dreg:$0x2]  }
0x4: {  	s0 =	rddreg [dreg:$0x3];
	s5 =	srdreg.scid  }
0x5: {  	s2 =	simm.s32 $0x0;
	s1 =	stileid.u32;
	s10 =	simm.s32 $0x400  }
0x6: {  	s11 =	simm.s32 $0x20000;
	s12 =	simm.s32 $0x1;
	s13 =	simm.s32 $0xC400  }
0x7: {  	s14 =	simm.s32 $0x2;
	s15 =	simm.s32 $0x18900;
	s16 =	simm.s32 $0x0  }
0x8: {  	s5 =	sand.u32 $0x1, s5;
	[smem:$0x7FF] =	sst s2;
	s8 =	sshll.u32 s1, $0x1  }
0x9: {  	s7 =	ssub.s32 $0x2, s5;
	_ =	strace $0x80000047;
	s5 =	sor.u32 s5, s8  }
0xa: {  	s9 =	sshrl.u32 s7, $0x1;
	s8 =	sshll.u32 s5, $0x5;
	s30 =	sshll.u32 s5, $0x8  }
0xb: {  	s31 =	sshll.u32 s5, $0x4;
	s7 =	ssub.s32 s7, s9;
	s3 =	sadd.s32 s3, s8  }
0xc: {  	s4 =	sadd.s32 s4, s30;
	s6 =	sadd.s32 s6, s31;
	s8 =	simm.s32 $0x18800  }
0xd: {  	v0 =	vimm.s32 $0x0;
	v1 =	vlaneseq.u32;
	s9 =	simm.s32 $0x3;
	s5 =	sadd.s32 $0x80, s4;
	s7 =	smax.u32 s7, $0x1  }
.LBB2_1:
0xe: {  	[tilespmem:s8], [sflag:$0x3] =	stream.linear.gather [hbm4b:s3+s2], $0x100, $0x38;
	[tilespmem:$0x18980] =	vst v63  }
0xf: {  	_ =	swait.ge [sflag:s9], $0x100  }
0x10: {  	[sflag:s9] =	ssyncset.done $0x0  }
0x11: {  	[sflag:s9] =	ssyncadd.s32 $0xFFFFFF00  }
0x12: {  	[tilespmem:s2], [sflag:$0x1] =	stream.strided.gather [hbm4b:s4+s10], $0xC400, s11, s10, $0x38;
	[tilespmem:$0x18980] =	vst v63  }
0x13: {  	_ =	swait.ge [sflag:s12], $0xC400  }
0x14: {  	[sflag:s12] =	ssyncset.done $0x0  }
0x15: {  	s17 =	simm.s32 $0x200;
	s18 =	simm.s32 $0x0;
	[sflag:s12] =	ssyncadd.s32 $0xFFFF3C00  }
0x16: {  	v2 =	vimm.f32 $0.0e+00;
	[tilespmem:s13], [sflag:$0x2] =	stream.strided.gather [hbm4b:s5+s10], $0xC400, s11, s10, $0x38;
	[tilespmem:$0x18980] =	vst v63  }
.LBB2_2:
0x17: {  	v3 =	vld [tilespmem:s17+$0xFFFFFE00]  }
0x18: {  	v4 =	vld [tilespmem:s17+$0xFFFFFE80];
	_ =	sdelay $0x1  }
0x19: {  	v5 =	vld [tilespmem:s17+$0xFFFFFF00]  }
0x1a: {  	v6 =	vimm.f32 $-Inf  }
0x1b: {  	v7 =	vmax.f32 v6, v3;
	v3 =	vmin.f32 v6, v3  }
0x1c: {  	v9 =	vmax.f32 v6, v3;
	v3 =	vmin.f32 v6, v3;
	v10 =	vmax.f32 v7, v4  }
0x1d: {  	v8 =	vld [tilespmem:s17+$0xFFFFFF80];
	v4 =	vmin.f32 v7, v4;
	v11 =	vmax.f32 v6, v3;
	v3 =	vmin.f32 v6, v3  }
0x1e: {  	v7 =	vmax.f32 v9, v4;
	v4 =	vmin.f32 v9, v4;
	v9 =	vmax.f32 v10, v5  }
0x1f: {  	v12 =	vld [tilespmem:s17+$0x0];
	v5 =	vmin.f32 v10, v5;
	v13 =	vmax.f32 v6, v3;
	v3 =	vmin.f32 v6, v3  }
0x20: {  	v10 =	vmax.f32 v11, v4;
	v14 =	vmax.f32 v7, v5;
	v5 =	vmin.f32 v7, v5  }
0x21: {  	v4 =	vmin.f32 v11, v4;
	v7 =	vmax.f32 v10, v5;
	v5 =	vmin.f32 v10, v5  }
0x22: {  	v10 =	vmin.f32 v9, v8;
	v8 =	vmax.f32 v9, v8;
	v16 =	vmin.f32 v6, v3  }
0x23: {  	v15 =	vld [tilespmem:s17+$0x80];
	v19 =	vmax.f32 v13, v4;
	v4 =	vmin.f32 v13, v4;
	v3 =	vmax.f32 v6, v3  }
0x24: {  	v9 =	vmax.f32 v14, v10;
	v10 =	vmin.f32 v14, v10;
	v14 =	vmin.f32 v8, v12  }
0x25: {  	v11 =	vld [tilespmem:s17+$0x100];
	v8 =	vmax.f32 v8, v12;
	v12 =	vmax.f32 v19, v5;
	v5 =	vmin.f32 v19, v5  }
0x26: {  	v6 =	vmax.f32 v6, v16;
	v61 =	vmin.f32 v3, v4;
	v3 =	vmax.f32 v3, v4  }
0x27: {  	v18 =	vld [tilespmem:s17+$0x180];
	v17 =	vmax.f32 v7, v10;
	v7 =	vmin.f32 v7, v10;
	v10 =	vmax.f32 v9, v14  }
0x28: {  	v13 =	vmax.f32 v8, v15;
	v8 =	vmin.f32 v8, v15;
	v9 =	vmin.f32 v9, v14  }
0x29: {  	v4 =	vmax.f32 v6, v61;
	v62 =	vmin.f32 v3, v5;
	v5 =	vmax.f32 v3, v5  }
0x2a: {  	v14 =	vmax.f32 v12, v7;
	v7 =	vmin.f32 v12, v7;
	v15 =	vmax.f32 v13, v11  }
0x2b: {  	v6 =	vmin.f32 v13, v11;
	v11 =	vmax.f32 v17, v9;
	v9 =	vmin.f32 v17, v9  }
0x2c: {  	v13 =	vmin.f32 v10, v8;
	v8 =	vmax.f32 v10, v8;
	v12 =	vmin.f32 v15, v18  }
0x2d: {  	v17 =	vmin.f32 v14, v9;
	v63 =	vmax.f32 v11, v13;
	v3 =	vmax.f32 v15, v18  }
0x2e: {  	v15 =	vmax.f32 v4, v62;
	v9 =	vmax.f32 v14, v9;
	v10 =	vmax.f32 v8, v6  }
0x2f: {  	v14 =	vmin.f32 v5, v7;
	v11 =	vmin.f32 v11, v13;
	v13 =	vmax.f32 v5, v7  }
0x30: {  	v6 =	vmin.f32 v8, v6;
	v4 =	vmax.f32 v10, v12;
	v7 =	vmax.f32 v9, v11  }
0x31: {  	v5 =	vmin.f32 v10, v12;
	v10 =	vmax.f32 v13, v17;
	v11 =	vmin.f32 v9, v11  }
0x32: {  	v12 =	vmin.f32 v13, v17;
	v9 =	vmax.f32 v63, v6;
	v14 =	vmax.f32 v15, v14  }
0x33: {  	s19 =	sshll.u32 s18, $0x4;
	s20 =	simm.s32 $0x0;
	s21 =	sadd.s32 $0x400, s17;
	v13 =	vmin.f32 v63, v6;
	v8 =	vmax.f32 v10, v11;
	v6 =	vmin.f32 v9, v5  }
.LBB2_3:
0x34: {  	v15 =	vld [tilespmem:s21+$0xFFFFFE00];
	s20 =	sadd.s32 $0x8, s20;
	v12 =	vmax.f32 v14, v12;
	v5 =	vmax.f32 v9, v5  }
0x35: {  	v10 =	vmin.f32 v10, v11;
	v11 =	vmax.f32 v7, v13;
	v7 =	vmin.f32 v7, v13;
	v9 =	vld [tilespmem:s21+$0xFFFFFE80];
	p0 =	slt.u32 s20, $0x180  }
0x36: {  	v10 =	vmax.f32 v12, v10;
	v12 =	vmax.f32 v8, v7;
	v7 =	vmin.f32 v8, v7  }
0x37: {  	v7 =	vmax.f32 v10, v7;
	v10 =	vmax.f32 v11, v6;
	v6 =	vmin.f32 v11, v6;
	v8 =	vld [tilespmem:s21+$0xFFFFFF00]  }
0x38: {  	v11 =	vmax.f32 v12, v6;
	v6 =	vmin.f32 v12, v6  }
0x39: {  	v6 =	vmax.f32 v7, v6;
	v12 =	vmax.f32 v3, v15;
	v3 =	vmin.f32 v3, v15;
	v13 =	vld [tilespmem:s21+$0xFFFFFF80]  }
0x3a: {  	v7 =	vmax.f32 v4, v3;
	v3 =	vmin.f32 v4, v3;
	v4 =	vmax.f32 v12, v9  }
0x3b: {  	v14 =	vmax.f32 v5, v3;
	v3 =	vmin.f32 v5, v3;
	v5 =	vmin.f32 v12, v9  }
0x3c: {  	v9 =	vmax.f32 v7, v5;
	v5 =	vmin.f32 v7, v5;
	v7 =	vmax.f32 v4, v8;
	v12 =	vld [tilespmem:s21+$0x0]  }
0x3d: {  	v15 =	vmax.f32 v10, v3;
	v3 =	vmin.f32 v10, v3;
	v4 =	vmin.f32 v4, v8  }
0x3e: {  	v8 =	vmax.f32 v14, v5;
	v10 =	vmax.f32 v9, v4;
	v4 =	vmin.f32 v9, v4  }
0x3f: {  	v9 =	vmax.f32 v8, v4;
	v4 =	vmin.f32 v8, v4;
	v8 =	vmin.f32 v7, v13;
	v16 =	vld [tilespmem:s21+$0x80]  }
0x40: {  	v5 =	vmin.f32 v14, v5;
	v7 =	vmax.f32 v7, v13;
	v13 =	vmax.f32 v10, v8;
	v14 =	vld [tilespmem:s21+$0x100]  }
0x41: {  	v17 =	vmin.f32 v11, v3;
	v8 =	vmin.f32 v10, v8;
	v10 =	vmin.f32 v7, v12  }
0x42: {  	v18 =	vmax.f32 v9, v8;
	v8 =	vmin.f32 v9, v8;
	v9 =	vmax.f32 v13, v10;
	v19 =	vld [tilespmem:s21+$0x180]  }
0x43: {  	v20 =	vmax.f32 v15, v5;
	v5 =	vmin.f32 v15, v5;
	v7 =	vmax.f32 v7, v12  }
0x44: {  	v3 =	vmax.f32 v11, v3;
	v11 =	vmax.f32 v20, v4;
	v12 =	vmax.f32 v7, v16  }
0x45: {  	v4 =	vmin.f32 v20, v4;
	v7 =	vmin.f32 v7, v16;
	v15 =	vmax.f32 v12, v14  }
0x46: {  	v6 =	vmax.f32 v6, v17;
	v10 =	vmin.f32 v13, v10;
	v16 =	vmin.f32 v3, v5  }
0x47: {  	v13 =	vmax.f32 v11, v8;
	v8 =	vmin.f32 v11, v8;
	v11 =	vmin.f32 v15, v19  }
0x48: {  	v3 =	vmax.f32 v3, v5;
	v5 =	vmax.f32 v6, v16;
	v6 =	vmin.f32 v12, v14  }
0x49: {  	v12 =	vmax.f32 v18, v10;
	v10 =	vmin.f32 v18, v10;
	v14 =	vmin.f32 v9, v7  }
0x4a: {  	v16 =	vmin.f32 v3, v4;
	v17 =	vmin.f32 v13, v10;
	v18 =	vmax.f32 v12, v14  }
0x4b: {  	v20 =	vmax.f32 v3, v4;
	v9 =	vmax.f32 v9, v7;
	v3 =	vmax.f32 v15, v19  }
0x4c: {  	v13 =	vmax.f32 v13, v10;
	v15 =	vmax.f32 v5, v16;
	v5 =	vmax.f32 v9, v6  }
.Ltmp0:
0x4d: {  	v12 =	vmin.f32 v12, v14;
	v16 =	vmin.f32 v20, v8;
	v4 =	vmax.f32 v5, v11;
	(pc) =	sbr.rel @p0 .LBB2_3-.Ltmp0, $4  }
0x4e: {  	v8 =	vmax.f32 v20, v8;
	v7 =	vmax.f32 v13, v12;
	v5 =	vmin.f32 v5, v11  }
0x4f: {  	v6 =	vmin.f32 v9, v6;
	v10 =	vmax.f32 v8, v17;
	v11 =	vmin.f32 v13, v12  }
0x50: {  	v12 =	vmin.f32 v8, v17;
	v9 =	vmax.f32 v18, v6;
	v8 =	vmax.f32 v10, v11  }
0x51: {  	s21 =	sadd.s32 $0x400, s21;
	v14 =	vmax.f32 v15, v16;
	v13 =	vmin.f32 v18, v6;
	v6 =	vmin.f32 v9, v5  }
0x52: {  	v15 =	vor.u32 s19, v1;
	_ =	sdelay $0x4  }
0x53: {  	v16 =	vld.idx.msk [tilespmem:v15+s8+$0x0], $0xffff  }
0x54: {  	v12 =	vmax.f32 v14, v12;
	v10 =	vmin.f32 v10, v11  }
0x55: {  	v51 =	vmax.f32 v7, v13;
	v52 =	vmin.f32 v7, v13;
	v10 =	vmax.f32 v12, v10  }
0x56: {  	v53 =	vmax.f32 v8, v52;
	v7 =	vmin.f32 v8, v52;
	v54 =	vmin.f32 v51, v6  }
0x57: {  	v7 =	vmax.f32 v10, v7;
	v55 =	vmin.f32 v53, v54  }
0x58: {  	v7 =	vmax.f32 v7, v55;
	v56 =	vshll.u32 v16, $0x7  }
0x59: {  	vm0 =	vgt.f32 v3, v7;
	vm1 =	vgt.f32 v4, v7;
	v3 =	vadd.s32 v15, v56  }
0x5a: {  	v5 =	vmax.f32 v9, v5;
	v57 =	vsel vm0, $0x3F800000, v0;
	v58 =	vsel vm1, $0x3F800000, v0  }
0x5b: {  	vm12 =	vgt.f32 v5, v7;
	v4 =	vadd.f32 v58, v57  }
0x5c: {  	v59 =	vmax.f32 v51, v6;
	v60 =	vsel vm12, $0x3F800000, v0  }
0x5d: {  	vm13 =	vgt.f32 v59, v7;
	v4 =	vadd.f32 v60, v4  }
0x5e: {  	v61 =	vmax.f32 v53, v54;
	v62 =	vsel vm13, $0x3F800000, v0;
	v3 =	vld.idx.msk [tilespmem:v3+s2+$0x0], $0xffff  }
0x5f: {  	vm14 =	vgt.f32 v61, v7;
	v4 =	vadd.f32 v62, v4  }
0x60: {  	v5 =	vsel vm14, $0x3F800000, v0  }
0x61: {  	v4 =	vadd.f32 v5, v4;
	_ =	sdelay $0x1  }
0x62: {  	vm15 =	vgt.f32 v3, v7;
	v3 =	vadd.f32 $1.000000000e+00, v4  }
0x63: {  	v63 =	vsel vm15, $0x3F800000, v0  }
0x64: {  	v3 =	vsub.f32 v3, v63;
	_ =	sdelay $0x1  }
0x65: {  	(erf) = vrcp.f32 v3;
	_ =	sdelay $0x5  }
0x66: {  	s18 =	sadd.s32 $0x1, s18  }
0x67: {  	p0 =	sne.s32 s18, $0x8  }
.Ltmp1:
0x68: {  	_ = 	snop;
	(pc) =	sbr.rel @p0 .LBB2_2-.Ltmp1, $3  }
0x69: {  	v3 =	vpop (erf)  }
0x6a: {  	v3 =	vmul.f32 v63, v3;
	_ =	sdelay $0x1  }
0x6b: {  	s17 =	sadd.s32 $0x10, s17;
	v2 =	vadd.f32 v3, v2  }
0x6c: {  	_ =	swait.ge [sflag:s14], $0xC400  }
0x6d: {  	[sflag:s14] =	ssyncset.done $0x0  }
0x6e: {  	s17 =	simm.s32 $0x0;
	s18 =	simm.s32 $0xC600;
	[sflag:s14] =	ssyncadd.s32 $0xFFFF3C00  }
0x6f: {  	[tilespmem:s17], [sflag:$0x1] =	stream.strided.gather [hbm4b:s5+s10], $0xC400, s11, s10, $0x38;
	[tilespmem:$0x18980] =	vst v63  }
.LBB2_6:
0x70: {  	v3 =	vld [tilespmem:s18+$0xFFFFFE00]  }
0x71: {  	v4 =	vld [tilespmem:s18+$0xFFFFFE80];
	_ =	sdelay $0x1  }
0x72: {  	v5 =	vld [tilespmem:s18+$0xFFFFFF00]  }
0x73: {  	v6 =	vimm.f32 $-Inf  }
0x74: {  	v7 =	vmax.f32 v6, v3;
	v3 =	vmin.f32 v6, v3  }
0x75: {  	v9 =	vmax.f32 v6, v3;
	v3 =	vmin.f32 v6, v3;
	v10 =	vmax.f32 v7, v4  }
0x76: {  	v8 =	vld [tilespmem:s18+$0xFFFFFF80];
	v4 =	vmin.f32 v7, v4;
	v11 =	vmax.f32 v6, v3;
	v3 =	vmin.f32 v6, v3  }
0x77: {  	v7 =	vmax.f32 v9, v4;
	v4 =	vmin.f32 v9, v4;
	v9 =	vmax.f32 v10, v5  }
0x78: {  	v12 =	vld [tilespmem:s18+$0x0];
	v5 =	vmin.f32 v10, v5;
	v13 =	vmax.f32 v6, v3;
	v3 =	vmin.f32 v6, v3  }
0x79: {  	v10 =	vmax.f32 v11, v4;
	v14 =	vmax.f32 v7, v5;
	v5 =	vmin.f32 v7, v5  }
0x7a: {  	v4 =	vmin.f32 v11, v4;
	v7 =	vmax.f32 v10, v5;
	v5 =	vmin.f32 v10, v5  }
0x7b: {  	v10 =	vmin.f32 v9, v8;
	v8 =	vmax.f32 v9, v8;
	v16 =	vmin.f32 v6, v3  }
0x7c: {  	v15 =	vld [tilespmem:s18+$0x80];
	v19 =	vmax.f32 v13, v4;
	v4 =	vmin.f32 v13, v4;
	v3 =	vmax.f32 v6, v3  }
0x7d: {  	v9 =	vmax.f32 v14, v10;
	v10 =	vmin.f32 v14, v10;
	v14 =	vmin.f32 v8, v12  }
0x7e: {  	v11 =	vld [tilespmem:s18+$0x100];
	v8 =	vmax.f32 v8, v12;
	v12 =	vmax.f32 v19, v5;
	v5 =	vmin.f32 v19, v5  }
0x7f: {  	v6 =	vmax.f32 v6, v16;
	v61 =	vmin.f32 v3, v4;
	v3 =	vmax.f32 v3, v4  }
0x80: {  	v18 =	vld [tilespmem:s18+$0x180];
	v17 =	vmax.f32 v7, v10;
	v7 =	vmin.f32 v7, v10;
	v10 =	vmax.f32 v9, v14  }
0x81: {  	v13 =	vmax.f32 v8, v15;
	v8 =	vmin.f32 v8, v15;
	v9 =	vmin.f32 v9, v14  }
0x82: {  	v4 =	vmax.f32 v6, v61;
	v62 =	vmin.f32 v3, v5;
	v5 =	vmax.f32 v3, v5  }
0x83: {  	v14 =	vmax.f32 v12, v7;
	v7 =	vmin.f32 v12, v7;
	v15 =	vmax.f32 v13, v11  }
0x84: {  	v6 =	vmin.f32 v13, v11;
	v11 =	vmax.f32 v17, v9;
	v9 =	vmin.f32 v17, v9  }
0x85: {  	v13 =	vmin.f32 v10, v8;
	v8 =	vmax.f32 v10, v8;
	v12 =	vmin.f32 v15, v18  }
0x86: {  	v17 =	vmin.f32 v14, v9;
	v63 =	vmax.f32 v11, v13;
	v3 =	vmax.f32 v15, v18  }
0x87: {  	v15 =	vmax.f32 v4, v62;
	v9 =	vmax.f32 v14, v9;
	v10 =	vmax.f32 v8, v6  }
0x88: {  	v14 =	vmin.f32 v5, v7;
	v11 =	vmin.f32 v11, v13;
	v13 =	vmax.f32 v5, v7  }
0x89: {  	v6 =	vmin.f32 v8, v6;
	v4 =	vmax.f32 v10, v12;
	v7 =	vmax.f32 v9, v11  }
0x8a: {  	v5 =	vmin.f32 v10, v12;
	v10 =	vmax.f32 v13, v17;
	v11 =	vmin.f32 v9, v11  }
0x8b: {  	v12 =	vmin.f32 v13, v17;
	v9 =	vmax.f32 v63, v6;
	v14 =	vmax.f32 v15, v14  }
0x8c: {  	s19 =	sshll.u32 s17, $0x4;
	s20 =	simm.s32 $0x0;
	s21 =	sadd.s32 $0x400, s18;
	v13 =	vmin.f32 v63, v6;
	v8 =	vmax.f32 v10, v11;
	v6 =	vmin.f32 v9, v5  }
.LBB2_7:
0x8d: {  	v15 =	vld [tilespmem:s21+$0xFFFFFE00];
	s20 =	sadd.s32 $0x8, s20;
	v12 =	vmax.f32 v14, v12;
	v5 =	vmax.f32 v9, v5  }
0x8e: {  	v10 =	vmin.f32 v10, v11;
	v11 =	vmax.f32 v7, v13;
	v7 =	vmin.f32 v7, v13;
	v9 =	vld [tilespmem:s21+$0xFFFFFE80];
	p0 =	slt.u32 s20, $0x180  }
0x8f: {  	v10 =	vmax.f32 v12, v10;
	v12 =	vmax.f32 v8, v7;
	v7 =	vmin.f32 v8, v7  }
0x90: {  	v7 =	vmax.f32 v10, v7;
	v10 =	vmax.f32 v11, v6;
	v6 =	vmin.f32 v11, v6;
	v8 =	vld [tilespmem:s21+$0xFFFFFF00]  }
0x91: {  	v11 =	vmax.f32 v12, v6;
	v6 =	vmin.f32 v12, v6  }
0x92: {  	v6 =	vmax.f32 v7, v6;
	v12 =	vmax.f32 v3, v15;
	v3 =	vmin.f32 v3, v15;
	v13 =	vld [tilespmem:s21+$0xFFFFFF80]  }
0x93: {  	v7 =	vmax.f32 v4, v3;
	v3 =	vmin.f32 v4, v3;
	v4 =	vmax.f32 v12, v9  }
0x94: {  	v14 =	vmax.f32 v5, v3;
	v3 =	vmin.f32 v5, v3;
	v5 =	vmin.f32 v12, v9  }
0x95: {  	v9 =	vmax.f32 v7, v5;
	v5 =	vmin.f32 v7, v5;
	v7 =	vmax.f32 v4, v8;
	v12 =	vld [tilespmem:s21+$0x0]  }
0x96: {  	v15 =	vmax.f32 v10, v3;
	v3 =	vmin.f32 v10, v3;
	v4 =	vmin.f32 v4, v8  }
0x97: {  	v8 =	vmax.f32 v14, v5;
	v10 =	vmax.f32 v9, v4;
	v4 =	vmin.f32 v9, v4  }
0x98: {  	v9 =	vmax.f32 v8, v4;
	v4 =	vmin.f32 v8, v4;
	v8 =	vmin.f32 v7, v13;
	v16 =	vld [tilespmem:s21+$0x80]  }
0x99: {  	v5 =	vmin.f32 v14, v5;
	v7 =	vmax.f32 v7, v13;
	v13 =	vmax.f32 v10, v8;
	v14 =	vld [tilespmem:s21+$0x100]  }
0x9a: {  	v17 =	vmin.f32 v11, v3;
	v8 =	vmin.f32 v10, v8;
	v10 =	vmin.f32 v7, v12  }
0x9b: {  	v18 =	vmax.f32 v9, v8;
	v8 =	vmin.f32 v9, v8;
	v9 =	vmax.f32 v13, v10;
	v19 =	vld [tilespmem:s21+$0x180]  }
0x9c: {  	v20 =	vmax.f32 v15, v5;
	v5 =	vmin.f32 v15, v5;
	v7 =	vmax.f32 v7, v12  }
0x9d: {  	v3 =	vmax.f32 v11, v3;
	v11 =	vmax.f32 v20, v4;
	v12 =	vmax.f32 v7, v16  }
0x9e: {  	v4 =	vmin.f32 v20, v4;
	v7 =	vmin.f32 v7, v16;
	v15 =	vmax.f32 v12, v14  }
0x9f: {  	v6 =	vmax.f32 v6, v17;
	v10 =	vmin.f32 v13, v10;
	v16 =	vmin.f32 v3, v5  }
0xa0: {  	v13 =	vmax.f32 v11, v8;
	v8 =	vmin.f32 v11, v8;
	v11 =	vmin.f32 v15, v19  }
0xa1: {  	v3 =	vmax.f32 v3, v5;
	v5 =	vmax.f32 v6, v16;
	v6 =	vmin.f32 v12, v14  }
0xa2: {  	v12 =	vmax.f32 v18, v10;
	v10 =	vmin.f32 v18, v10;
	v14 =	vmin.f32 v9, v7  }
0xa3: {  	v16 =	vmin.f32 v3, v4;
	v17 =	vmin.f32 v13, v10;
	v18 =	vmax.f32 v12, v14  }
0xa4: {  	v20 =	vmax.f32 v3, v4;
	v9 =	vmax.f32 v9, v7;
	v3 =	vmax.f32 v15, v19  }
0xa5: {  	v13 =	vmax.f32 v13, v10;
	v15 =	vmax.f32 v5, v16;
	v5 =	vmax.f32 v9, v6  }
.Ltmp2:
0xa6: {  	v12 =	vmin.f32 v12, v14;
	v16 =	vmin.f32 v20, v8;
	v4 =	vmax.f32 v5, v11;
	(pc) =	sbr.rel @p0 .LBB2_7-.Ltmp2, $4  }
0xa7: {  	v8 =	vmax.f32 v20, v8;
	v7 =	vmax.f32 v13, v12;
	v5 =	vmin.f32 v5, v11  }
0xa8: {  	v6 =	vmin.f32 v9, v6;
	v10 =	vmax.f32 v8, v17;
	v11 =	vmin.f32 v13, v12  }
0xa9: {  	v12 =	vmin.f32 v8, v17;
	v9 =	vmax.f32 v18, v6;
	v8 =	vmax.f32 v10, v11  }
0xaa: {  	s21 =	sadd.s32 $0x400, s21;
	v14 =	vmax.f32 v15, v16;
	v13 =	vmin.f32 v18, v6;
	v6 =	vmin.f32 v9, v5  }
0xab: {  	s20 =	sor.u32 $0x80, s19  }
0xac: {  	v15 =	vor.u32 s20, v1;
	_ =	sdelay $0x4  }
0xad: {  	v15 =	vld.idx.msk [tilespmem:v15+s8+$0x0], $0xffff;
	_ =	sdelay $0x1  }
0xae: {  	v12 =	vmax.f32 v14, v12;
	v10 =	vmin.f32 v10, v11  }
0xaf: {  	v50 =	vmax.f32 v7, v13;
	v51 =	vmin.f32 v7, v13;
	v10 =	vmax.f32 v12, v10  }
0xb0: {  	v52 =	vmax.f32 v8, v51;
	v7 =	vmin.f32 v8, v51;
	v53 =	vmin.f32 v50, v6  }
0xb1: {  	v7 =	vmax.f32 v10, v7;
	v54 =	vmin.f32 v52, v53;
	v55 =	vshll.u32 v15, $0x7  }
0xb2: {  	v7 =	vmax.f32 v7, v54;
	v56 =	vadd.s32 s19, v55  }
0xb3: {  	vm0 =	vgt.f32 v3, v7;
	vm1 =	vgt.f32 v4, v7;
	v3 =	vadd.s32 v1, v56  }
0xb4: {  	v5 =	vmax.f32 v9, v5;
	v57 =	vsel vm0, $0x3F800000, v0;
	v58 =	vsel vm1, $0x3F800000, v0  }
0xb5: {  	vm12 =	vgt.f32 v5, v7;
	v4 =	vadd.f32 v58, v57  }
0xb6: {  	v59 =	vmax.f32 v50, v6;
	v60 =	vsel vm12, $0x3F800000, v0  }
0xb7: {  	vm13 =	vgt.f32 v59, v7;
	v4 =	vadd.f32 v60, v4  }
0xb8: {  	v61 =	vmax.f32 v52, v53;
	v62 =	vsel vm13, $0x3F800000, v0;
	v3 =	vld.idx.msk [tilespmem:v3+s13+$0x0], $0xffff  }
0xb9: {  	vm14 =	vgt.f32 v61, v7;
	v4 =	vadd.f32 v62, v4  }
0xba: {  	v5 =	vsel vm14, $0x3F800000, v0  }
0xbb: {  	v4 =	vadd.f32 v5, v4;
	_ =	sdelay $0x1  }
0xbc: {  	vm15 =	vgt.f32 v3, v7;
	v3 =	vadd.f32 $1.000000000e+00, v4  }
0xbd: {  	v63 =	vsel vm15, $0x3F800000, v0  }
0xbe: {  	v3 =	vsub.f32 v3, v63;
	_ =	sdelay $0x1  }
0xbf: {  	(erf) = vrcp.f32 v3;
	_ =	sdelay $0x5  }
0xc0: {  	s17 =	sadd.s32 $0x1, s17  }
0xc1: {  	p0 =	sne.s32 s17, $0x8  }
.Ltmp3:
0xc2: {  	_ = 	snop;
	(pc) =	sbr.rel @p0 .LBB2_6-.Ltmp3, $3  }
0xc3: {  	v3 =	vpop (erf)  }
0xc4: {  	v3 =	vmul.f32 v63, v3;
	_ =	sdelay $0x1  }
0xc5: {  	s18 =	sadd.s32 $0x10, s18;
	v2 =	vadd.f32 v3, v2  }
0xc6: {  	_ =	swait.ge [sflag:s12], $0xC400  }
0xc7: {  	s16 =	sadd.s32 $0x1, s16;
	[sflag:s12] =	ssyncset.done $0x0  }
0xc8: {  	p0 =	sne.s32 s16, s7;
	[sflag:s12] =	ssyncadd.s32 $0xFFFF3C00  }
.Ltmp4:
0xc9: {  	[tilespmem:$0x18900] =	vst v2;
	(pc) =	sbr.rel @p0 .LBB2_1-.Ltmp4, $4  }
0xca: {  	[hbm4b:s6+s2] =	stream.linear.scatter [tilespmem:s15], [sflag:$0x3], $0x80, $0x38;
	[tilespmem:$0x18980] =	vst v63  }
0xcb: {  	_ =	swait.ge [sflag:s9], $0x80  }
0xcc: {  	[sflag:s9] =	ssyncset.done $0x0  }
0xcd: {  	[sflag:s9] =	ssyncadd.s32 $0xFFFFFF80  }
0xce: {  	_ =	sfence.sel $0x180000  }
0xcf: {  	[bflag:$0x0] =	sbarrier.arrive $0xFFFF  }
0xd0: {  	p0 =	sne.s32 s1, $0x0;
	_ =	strace $0x90000047  }
0xd1: {  	s0 =	sadd.s32 @!p0 $0x100000, s0;
	[bflag:$0x2] =	sbarrier.arrive $0xFFFF  }
0xd2: {  	[sflag:s0] =	ssyncadd.tile.s32 @!p0 $0x1;
	_ =	shalt  }
.Lfunc_end2:
_tile_overlayer_lowered:
.L_overlay_start_2:
0xd3: {  	(tag) =	ssettag $0x2  }
0xd4: {  	s0 =	rddreg [dreg:$0x0];
	s2 =	stileid.u32  }
0xd5: {  	s1 =	rddreg [dreg:$0x1];
	p0 =	sne.s32 s2, $0x0  }
0xd6: {  	s3 =	rddreg [dreg:$0x2];
	[bflag:$0x3] =	sbarrier.arrive $0xFFFF;
	s2 =	simm.s32 @!p0 $0x1C03  }
0xd7: {  	[timem:s3], [sflag:s2] =	dma.local @!p0 [hbm:s0], s1  }
0xd8: {  	s0 =	simm.s32 @!p0 $0x3  }
0xd9: {  	_ =	swait.ge @!p0 [sflag:s0], s1  }
0xda: {  	s1 =	ssub.s32 @!p0 $0x0, s1;
	[sflag:s0] =	ssyncset.done @!p0 $0x0  }
0xdb: {  	[sflag:s0] =	ssyncadd.s32 @!p0 s1  }
0xdc: {  	[bflag:$0x3] =	sbarrier.arrive $0xFFFF  }
0xdd: {  	_ =	shalt  }

</sc_bundles>
